<compile_context>
chip_gen: v7x
topology: tpu7x:2x2x1
jax: 0.10.2.dev20260603
libtpu: 0.0.44.dev20260713+nightly
codegen_flags: <defaults>
</compile_context>

<pallas_src>
import functools

import jax
import jax.numpy as jnp
from jax import lax
from jax.experimental import pallas as pl
from jax.experimental.pallas import tpu as pltpu
from jax.experimental.pallas import tpu_sc as plsc

E = 8
D = 1024
O = 1024
B = 2048
K = 32
BM = 256
NBLK = B // BM + E
S = NBLK * BM
RB = 512


def _window_sum(x):
    acc = x[:, 0:K]
    for p in range(1, D // K):
        acc = acc + x[:, p * K:(p + 1) * K]
    return acc


def _router_body(x_ref, wr_ref, sel0_ref, pos_ref, bexp_ref, bval_ref,
                 loss_ref, run_cnt, dps_scr, oh_scr, rank_scr):
    i = pl.program_id(0)

    @pl.when(i == 0)
    def _():
        run_cnt[...] = jnp.zeros_like(run_cnt)
        dps_scr[...] = jnp.zeros_like(dps_scr)

    @pl.when(i < B // RB)
    def _router_step():
        x = x_ref[...]
        logits = lax.dot_general(_window_sum(x), wr_ref[...],
                                 (((1,), (1,)), ((), ())),
                                 preferred_element_type=jnp.float32)
        m = jnp.max(logits, axis=1, keepdims=True)
        eexp = jnp.exp(logits - m)
        ssum = jnp.sum(eexp, axis=1, keepdims=True)
        iota_e = lax.broadcasted_iota(jnp.int32, (RB, E), 1)
        idx2 = jnp.min(jnp.where(logits == m, iota_e, E), axis=1,
                       keepdims=True)
        onehot = (iota_e == idx2).astype(jnp.float32)
        sel0_ref[...] = onehot
        oh_scr[pl.ds(i * RB, RB), :] = onehot
        r_i = lax.broadcasted_iota(jnp.int32, (RB, RB), 0)
        c_i = lax.broadcasted_iota(jnp.int32, (RB, RB), 1)
        tri = (c_i < r_i).astype(jnp.float32)
        ranks = lax.dot_general(tri, onehot, (((1,), (0,)), ((), ())),
                                preferred_element_type=jnp.float32)
        rank_intra = jnp.sum(ranks * onehot, axis=1, keepdims=True)
        prev = run_cnt[...]
        rank_scr[pl.ds(i * RB, RB), :] = (
            rank_intra + jnp.sum(onehot * prev, axis=1, keepdims=True))
        run_cnt[...] = prev + jnp.sum(onehot, axis=0, keepdims=True)
        dps_scr[...] += jnp.sum(eexp / ssum, axis=0, keepdims=True)

    @pl.when(i == B // RB)
    def _meta_step():
        counts = run_cnt[...]
        ci = counts.astype(jnp.int32)
        pcount = ((ci + (BM - 1)) // BM) * BM
        e_r = lax.broadcasted_iota(jnp.int32, (E, E), 0)
        e_c = lax.broadcasted_iota(jnp.int32, (E, E), 1)
        upper = (e_r < e_c).astype(jnp.float32)
        pstart = lax.dot_general(pcount.astype(jnp.float32), upper,
                                 (((1,), (0,)), ((), ())),
                                 preferred_element_type=jnp.float32)
        onehot = oh_scr[...]
        ps_tok = jnp.sum(onehot * pstart, axis=1, keepdims=True)
        posf = rank_scr[...] + ps_tok
        pos_ref[...] = posf.astype(jnp.int32).reshape(pos_ref.shape)
        bstart = BM * lax.broadcasted_iota(jnp.int32, (NBLK, E), 0)
        pstart_b = jnp.broadcast_to(pstart.astype(jnp.int32), (NBLK, E))
        pcount_b = jnp.broadcast_to(pcount, (NBLK, E))
        cond = (bstart >= pstart_b) & (bstart < pstart_b + pcount_b)
        e_iota = lax.broadcasted_iota(jnp.int32, (NBLK, E), 1)
        bexp_ref[...] = jnp.sum(jnp.where(cond, e_iota, 0), axis=1,
                                keepdims=True)
        bval_ref[...] = jnp.sum(cond.astype(jnp.int32), axis=1,
                                keepdims=True)
        dp = dps_scr[...] / B
        dens = counts / B
        loss_ref[...] = jnp.sum(dp * dens, keepdims=True).reshape(1, 1) * E


def _router_call(x, Wr):
    nb = B // RB
    return pl.pallas_call(
        _router_body,
        grid=(nb + 1,),
        in_specs=[pl.BlockSpec((RB, D), lambda i: (jnp.minimum(i, nb - 1), 0)),
                  pl.BlockSpec((E, K), lambda i: (0, 0))],
        out_specs=[pl.BlockSpec((RB, E),
                                lambda i: (jnp.minimum(i, nb - 1), 0)),
                   pl.BlockSpec((B // 16, 16), lambda i: (0, 0)),
                   pl.BlockSpec((NBLK, 1), lambda i: (0, 0)),
                   pl.BlockSpec((NBLK, 1), lambda i: (0, 0)),
                   pl.BlockSpec((1, 1), lambda i: (0, 0))],
        out_shape=[jax.ShapeDtypeStruct((B, E), jnp.float32),
                   jax.ShapeDtypeStruct((B // 16, 16), jnp.int32),
                   jax.ShapeDtypeStruct((NBLK, 1), jnp.int32),
                   jax.ShapeDtypeStruct((NBLK, 1), jnp.int32),
                   jax.ShapeDtypeStruct((1, 1), jnp.float32)],
        scratch_shapes=[pltpu.VMEM((1, E), jnp.float32),
                        pltpu.VMEM((1, E), jnp.float32),
                        pltpu.VMEM((B, E), jnp.float32),
                        pltpu.VMEM((B, 1), jnp.float32)],
    )(x, Wr)


@functools.lru_cache(maxsize=None)
def _sc_builders():
    info = plsc.get_sparse_core_info()
    nw = info.num_cores * info.num_subcores
    bpw = B // nw
    mesh = plsc.VectorSubcoreMesh(core_axis_name="c", subcore_axis_name="s")

    def _wid():
        return lax.axis_index("s") * info.num_cores + lax.axis_index("c")

    nch = 4
    ch = bpw // nch
    sem_scratch = [pltpu.SemaphoreType.DMA for _ in range(2 * nch)]

    @functools.partial(
        pl.kernel,
        out_type=jax.ShapeDtypeStruct((S, D), jnp.float32),
        mesh=mesh,
        scratch_types=[pltpu.VMEM((nch, ch), jnp.int32),
                       pltpu.VMEM((nch, ch, D), jnp.float32)] + sem_scratch,
    )
    def scatter_k(x_hbm, pos2_hbm, xs_hbm, idx_v, rows_v, *sems):
        wid = _wid()
        base = wid * bpw
        pltpu.sync_copy(pos2_hbm.at[pl.ds(wid * nch, nch)], idx_v)
        ins = [pltpu.async_copy(x_hbm.at[pl.ds(base + c * ch, ch)],
                                rows_v.at[c], sems[c]) for c in range(nch)]
        outs = []
        for c in range(nch):
            ins[c].wait()
            outs.append(pltpu.async_copy(rows_v.at[c], xs_hbm.at[idx_v.at[c]],
                                         sems[nch + c]))
        for o in outs:
            o.wait()

    @functools.partial(
        pl.kernel,
        out_type=jax.ShapeDtypeStruct((B, O), jnp.float32),
        mesh=mesh,
        scratch_types=[pltpu.VMEM((nch, ch), jnp.int32),
                       pltpu.VMEM((nch, ch, O), jnp.float32)] + sem_scratch,
    )
    def gather_k(outs_hbm, pos2_hbm, out_hbm, idx_v, rows_v, *sems):
        wid = _wid()
        base = wid * bpw
        pltpu.sync_copy(pos2_hbm.at[pl.ds(wid * nch, nch)], idx_v)
        ins = [pltpu.async_copy(outs_hbm.at[idx_v.at[c]], rows_v.at[c],
                                sems[c]) for c in range(nch)]
        wr = []
        for c in range(nch):
            ins[c].wait()
            wr.append(pltpu.async_copy(rows_v.at[c],
                                       out_hbm.at[pl.ds(base + c * ch, ch)],
                                       sems[nch + c]))
        for o in wr:
            o.wait()

    return scatter_k, gather_k, ch


def _mm_body(bexp_ref, bval_ref, xs_ref, ws_ref, bs_ref, wr_ref, out_ref):
    j = pl.program_id(0)

    @pl.when(bval_ref[j, 0] != 0)
    def _():
        xsb = xs_ref[...]
        lg = lax.dot_general(_window_sum(xsb), wr_ref[...],
                             (((1,), (1,)), ((), ())),
                             preferred_element_type=jnp.float32)
        gate = 1.0 / jnp.sum(
            jnp.exp(lg - jnp.max(lg, axis=1, keepdims=True)),
            axis=1, keepdims=True)
        h = lax.dot_general(xsb, ws_ref[0], (((1,), (1,)), ((), ())),
                            preferred_element_type=jnp.float32)
        h = h + bs_ref[0]
        y = h * h * h * gate
        m = jnp.max(y, axis=1, keepdims=True)
        p = jnp.exp(y - m)
        out_ref[...] = p / jnp.sum(p, axis=1, keepdims=True)


def _mm_call(bexp, bval, xs, Ws, bs, Wr):
    grid_spec = pltpu.PrefetchScalarGridSpec(
        num_scalar_prefetch=2,
        grid=(NBLK,),
        in_specs=[pl.BlockSpec((BM, D),
                               lambda j, be, bv: (
                                   jnp.where(bv[j, 0] != 0, j, 0), 0)),
                  pl.BlockSpec((1, O, D), lambda j, be, bv: (be[j, 0], 0, 0)),
                  pl.BlockSpec((1, 1, O), lambda j, be, bv: (be[j, 0], 0, 0)),
                  pl.BlockSpec((E, K), lambda j, be, bv: (0, 0))],
        out_specs=pl.BlockSpec((BM, O), lambda j, be, bv: (j, 0)),
    )
    return pl.pallas_call(
        _mm_body,
        grid_spec=grid_spec,
        out_shape=jax.ShapeDtypeStruct((S, O), jnp.float32),
    )(bexp, bval, xs, Ws, bs.reshape(E, 1, O), Wr)


def kernel(x, Wr, Ws, bs):
    sel0, pos, bexp, bval, loss = _router_call(x, Wr)
    scatter_k, gather_k, ch = _sc_builders()
    pos2 = pos.reshape(B // ch, ch)
    xs = scatter_k(x, pos2)
    outs = _mm_call(bexp, bval, xs, Ws, bs, Wr)
    output = gather_k(outs, pos2)
    return output, sel0, loss.reshape(())

# --- scband reference (transcript-rebuilt; emitter-appended) ---
"""Pipeline reference for scband-nonlinear-mixture-23510650978887 (READ-ONLY COPY).

The authoritative reference and input builder live on the scoring server;
editing this copy changes nothing except your own understanding.
"""

import jax, jax.numpy as jnp
import numpy as np

EXPERT_NUM = 8
IN_DIM = 1024
OUT_DIM = 1024
BATCH = 2048
KERNEL = 32  # Conv1d(1, E, 32, 32, bias=False)


def setup_inputs(seed: int = 0) -> dict:
    key = jax.random.key(seed)
    k1, k2, k3, k4 = jax.random.split(key, 4)
    x = jax.random.normal(k1, (BATCH, IN_DIM), dtype=jnp.float32)
    # Router Conv1d weight [E, 1, 32] -> [E, 32]; original init zeros it, we use
    # small values so routing is non-degenerate while keeping identical math.
    Wr = jax.random.normal(k2, (EXPERT_NUM, KERNEL), dtype=jnp.float32) * 0.01
    # Per-expert Linear(in_dim, out_dim): W [E, out, in], b [E, out] (orig scales by 0.001)
    Ws = jax.random.normal(k3, (EXPERT_NUM, OUT_DIM, IN_DIM), dtype=jnp.float32) * 0.02
    bs = jax.random.normal(k4, (EXPERT_NUM, OUT_DIM), dtype=jnp.float32) * 0.001
    return {"x": x, "Wr": Wr, "Ws": Ws, "bs": bs}


def reference(x, Wr, Ws, bs):
    B = x.shape[0]
    E = Wr.shape[0]
    # Router: Conv1d(1, E, k=32, s=32, no bias) over the feature dim, then sum over
    # output positions == reshape into non-overlapping windows and contract.
    xr = x.reshape(B, -1, KERNEL)                       # [B, P, 32]
    logits = jnp.einsum('bpk,ek->be', xr, Wr)           # conv + sum over positions
    # eval mode: no random noise added
    select = jax.nn.softmax(logits, axis=1)             # [B, E]
    vals, idx = jax.lax.top_k(select, 1)
    gate = vals[:, 0]                                   # [B]
    index = idx[:, 0]                                   # [B]
    mask = jax.nn.one_hot(index, E, dtype=jnp.float32)  # [B, E]
    density = mask.mean(axis=-2)                        # [E]
    density_proxy = select.mean(axis=-2)                # [E]
    loss = (density_proxy * density).mean() * float(E ** 2)
    mask_flat = mask.sum(axis=-1)                       # [B] (all ones)
    oh = jax.nn.one_hot(index, E, dtype=jnp.float32)    # [B, E]
    combine = gate[:, None, None] * mask_flat[:, None, None] * oh[:, :, None]  # [B, E, 1]
    dispatch = combine.astype(bool).astype(combine.dtype)                      # [B, E, 1]
    select0 = dispatch.squeeze(-1)                      # [B, E]
    # dense dispatch: einsum('bd,ben->ebd')
    expert_inputs = jnp.einsum('bd,ben->ebd', x, dispatch)  # [E, B, D]
    # experts: (Linear(x))**3, vectorized over E
    hidden = jnp.einsum('ebd,eod->ebo', expert_inputs, Ws) + bs[:, None, :]
    out_stack = hidden ** 3                             # [E, B, O]
    output = jnp.einsum('ijk,jil->il', combine, out_stack)  # [B, O]
    output = jax.nn.softmax(output, axis=1)
    return (output, select0, loss)

if __name__ == "__main__":
    import jax
    _d = setup_inputs()
    print(jax.jit(kernel)(*tuple(_d.values())))

</pallas_src>

<mosaic_0001>
#map = affine_map<(d0, d1) -> (0, 0)>
module attributes {stable_mosaic.version = 14 : i64} {
  func.func @gather_k(%arg0: i32, %arg1: i32, %arg2: memref<4096x1024xf32, #tpu.memory_space<hbm>>, %arg3: memref<128x16xi32, #tpu.memory_space<hbm>>, %arg4: memref<2048x1024xf32, #tpu.memory_space<hbm>>, %arg5: memref<4x16xi32, #tpu.memory_space<vmem>>, %arg6: memref<4x16x1024xf32, #tpu.memory_space<vmem>>, %arg7: memref<!tpu.dma_semaphore, #tpu.memory_space<semaphore_mem>>, %arg8: memref<!tpu.dma_semaphore, #tpu.memory_space<semaphore_mem>>, %arg9: memref<!tpu.dma_semaphore, #tpu.memory_space<semaphore_mem>>, %arg10: memref<!tpu.dma_semaphore, #tpu.memory_space<semaphore_mem>>, %arg11: memref<!tpu.dma_semaphore, #tpu.memory_space<semaphore_mem>>, %arg12: memref<!tpu.dma_semaphore, #tpu.memory_space<semaphore_mem>>, %arg13: memref<!tpu.dma_semaphore, #tpu.memory_space<semaphore_mem>>, %arg14: memref<!tpu.dma_semaphore, #tpu.memory_space<semaphore_mem>>) attributes {dimension_semantics = [#tpu.dimension_semantics<core_parallel>, #tpu.dimension_semantics<subcore_parallel>], iteration_bounds = array<i64: 2, 16>, scalar_prefetch = 0 : i64, scratch_operands = 10 : i64, tpu.core_type = #tpu.core_type<sc_vector_subcore>, window_params = [{transform_indices = #map}, {transform_indices = #map}, {transform_indices = #map}]} {
    %mul3A = arith.constant 2 : i32
    %mul3A_0 = arith.muli %arg1, %mul3A : i32
    %add3A = arith.addi %mul3A_0, %arg0 : i32
    %mul3A_1 = arith.constant 64 : i32
    %mul3A_2 = arith.muli %add3A, %mul3A_1 : i32
    %mul3A_3 = arith.constant 4 : i32
    %mul3A_4 = arith.muli %add3A, %mul3A_3 : i32
    "tpu.region"() ({
      %run_scoped3A = tpu.sem_alloc : memref<!tpu.dma_semaphore, #tpu.memory_space<semaphore_mem>>
      %dma_start3A_211 = arith.constant 0 : i32
      %dma_start3A_212 = tpu.memref_slice %arg3[%mul3A_4, %dma_start3A_211] : memref<128x16xi32, #tpu.memory_space<hbm>> -> memref<4x16xi32, #tpu.memory_space<hbm>>
      %dma_start3A_213 = arith.constant 0 : i32
      %dma_start3A_214 = tpu.memref_slice %arg3[%mul3A_4, %dma_start3A_213] : memref<128x16xi32, #tpu.memory_space<hbm>> -> memref<4x16xi32, #tpu.memory_space<hbm>>
      tpu.enqueue_dma source(%dma_start3A_214 : memref<4x16xi32, #tpu.memory_space<hbm>>) target(%arg5 : memref<4x16xi32, #tpu.memory_space<vmem>>) target_semaphore(%run_scoped3A : memref<!tpu.dma_semaphore, #tpu.memory_space<semaphore_mem>>)
      %dma_wait3A_215 = arith.constant 0 : i32
      %dma_wait3A_216 = tpu.memref_slice %arg3[%mul3A_4, %dma_wait3A_215] : memref<128x16xi32, #tpu.memory_space<hbm>> -> memref<4x16xi32, #tpu.memory_space<hbm>>
      %dma_wait3A_217 = arith.constant 0 : i32
      %dma_wait3A_218 = tpu.memref_slice %arg3[%mul3A_4, %dma_wait3A_217] : memref<128x16xi32, #tpu.memory_space<hbm>> -> memref<4x16xi32, #tpu.memory_space<hbm>>
      tpu.wait_dma2 semaphore(%run_scoped3A : memref<!tpu.dma_semaphore, #tpu.memory_space<semaphore_mem>>) src(%dma_wait3A_218 : memref<4x16xi32, #tpu.memory_space<hbm>>) dst(%arg5 : memref<4x16xi32, #tpu.memory_space<vmem>>)
      tpu.yield
    }) : () -> ()
    %dma_start3A = arith.constant 0 : i32
    %dma_start3A_5 = arith.constant 0 : i32
    %dma_start3A_6 = arith.constant 0 : i32
    %dma_start3A_7 = arith.constant 0 : i32
    %dma_start3A_8 = tpu.memref_slice %arg6[%dma_start3A_5, %dma_start3A_6, %dma_start3A_7] : memref<4x16x1024xf32, #tpu.memory_space<vmem>> -> memref<1x16x1024xf32, #tpu.memory_space<vmem>>
    %dma_start3A_9 = tpu.memref_squeeze %dma_start3A_8 : memref<1x16x1024xf32, #tpu.memory_space<vmem>> -> memref<16x1024xf32, #tpu.memory_space<vmem>>
    %dma_start3A_10 = arith.constant 0 : i32
    %dma_start3A_11 = tpu.memref_slice %arg5[%dma_start3A, %dma_start3A_10] : memref<4x16xi32, #tpu.memory_space<vmem>> -> memref<1x16xi32, #tpu.memory_space<vmem>>
    %dma_start3A_12 = tpu.memref_squeeze %dma_start3A_11 : memref<1x16xi32, #tpu.memory_space<vmem>> -> memref<16xi32, #tpu.memory_space<vmem>>
    %dma_start3A_13 = arith.constant 0 : i32
    %dma_start3A_14 = arith.constant 0 : i32
    %dma_start3A_15 = tpu.memref_slice %arg2[%dma_start3A_13, %dma_start3A_14] : memref<4096x1024xf32, #tpu.memory_space<hbm>> -> memref<4096x1024xf32, #tpu.memory_space<hbm>>
    tpu.enqueue_indirect_dma source(%dma_start3A_15 : memref<4096x1024xf32, #tpu.memory_space<hbm>>) target(%dma_start3A_9 : memref<16x1024xf32, #tpu.memory_space<vmem>>) offsets(%dma_start3A_12 : memref<16xi32, #tpu.memory_space<vmem>>) semaphore(%arg7 : memref<!tpu.dma_semaphore, #tpu.memory_space<semaphore_mem>>)
    %dma_start3A_16 = arith.constant 1 : i32
    %dma_start3A_17 = arith.constant 1 : i32
    %dma_start3A_18 = arith.constant 0 : i32
    %dma_start3A_19 = arith.constant 0 : i32
    %dma_start3A_20 = tpu.memref_slice %arg6[%dma_start3A_17, %dma_start3A_18, %dma_start3A_19] : memref<4x16x1024xf32, #tpu.memory_space<vmem>> -> memref<1x16x1024xf32, #tpu.memory_space<vmem>>
    %dma_start3A_21 = tpu.memref_squeeze %dma_start3A_20 : memref<1x16x1024xf32, #tpu.memory_space<vmem>> -> memref<16x1024xf32, #tpu.memory_space<vmem>>
    %dma_start3A_22 = arith.constant 0 : i32
    %dma_start3A_23 = tpu.memref_slice %arg5[%dma_start3A_16, %dma_start3A_22] : memref<4x16xi32, #tpu.memory_space<vmem>> -> memref<1x16xi32, #tpu.memory_space<vmem>>
    %dma_start3A_24 = tpu.memref_squeeze %dma_start3A_23 : memref<1x16xi32, #tpu.memory_space<vmem>> -> memref<16xi32, #tpu.memory_space<vmem>>
    %dma_start3A_25 = arith.constant 0 : i32
    %dma_start3A_26 = arith.constant 0 : i32
    %dma_start3A_27 = tpu.memref_slice %arg2[%dma_start3A_25, %dma_start3A_26] : memref<4096x1024xf32, #tpu.memory_space<hbm>> -> memref<4096x1024xf32, #tpu.memory_space<hbm>>
    tpu.enqueue_indirect_dma source(%dma_start3A_27 : memref<4096x1024xf32, #tpu.memory_space<hbm>>) target(%dma_start3A_21 : memref<16x1024xf32, #tpu.memory_space<vmem>>) offsets(%dma_start3A_24 : memref<16xi32, #tpu.memory_space<vmem>>) semaphore(%arg8 : memref<!tpu.dma_semaphore, #tpu.memory_space<semaphore_mem>>)
    %dma_start3A_28 = arith.constant 2 : i32
    %dma_start3A_29 = arith.constant 2 : i32
    %dma_start3A_30 = arith.constant 0 : i32
    %dma_start3A_31 = arith.constant 0 : i32
    %dma_start3A_32 = tpu.memref_slice %arg6[%dma_start3A_29, %dma_start3A_30, %dma_start3A_31] : memref<4x16x1024xf32, #tpu.memory_space<vmem>> -> memref<1x16x1024xf32, #tpu.memory_space<vmem>>
    %dma_start3A_33 = tpu.memref_squeeze %dma_start3A_32 : memref<1x16x1024xf32, #tpu.memory_space<vmem>> -> memref<16x1024xf32, #tpu.memory_space<vmem>>
    %dma_start3A_34 = arith.constant 0 : i32
    %dma_start3A_35 = tpu.memref_slice %arg5[%dma_start3A_28, %dma_start3A_34] : memref<4x16xi32, #tpu.memory_space<vmem>> -> memref<1x16xi32, #tpu.memory_space<vmem>>
    %dma_start3A_36 = tpu.memref_squeeze %dma_start3A_35 : memref<1x16xi32, #tpu.memory_space<vmem>> -> memref<16xi32, #tpu.memory_space<vmem>>
    %dma_start3A_37 = arith.constant 0 : i32
    %dma_start3A_38 = arith.constant 0 : i32
    %dma_start3A_39 = tpu.memref_slice %arg2[%dma_start3A_37, %dma_start3A_38] : memref<4096x1024xf32, #tpu.memory_space<hbm>> -> memref<4096x1024xf32, #tpu.memory_space<hbm>>
    tpu.enqueue_indirect_dma source(%dma_start3A_39 : memref<4096x1024xf32, #tpu.memory_space<hbm>>) target(%dma_start3A_33 : memref<16x1024xf32, #tpu.memory_space<vmem>>) offsets(%dma_start3A_36 : memref<16xi32, #tpu.memory_space<vmem>>) semaphore(%arg9 : memref<!tpu.dma_semaphore, #tpu.memory_space<semaphore_mem>>)
    %dma_start3A_40 = arith.constant 3 : i32
    %dma_start3A_41 = arith.constant 3 : i32
    %dma_start3A_42 = arith.constant 0 : i32
    %dma_start3A_43 = arith.constant 0 : i32
    %dma_start3A_44 = tpu.memref_slice %arg6[%dma_start3A_41, %dma_start3A_42, %dma_start3A_43] : memref<4x16x1024xf32, #tpu.memory_space<vmem>> -> memref<1x16x1024xf32, #tpu.memory_space<vmem>>
    %dma_start3A_45 = tpu.memref_squeeze %dma_start3A_44 : memref<1x16x1024xf32, #tpu.memory_space<vmem>> -> memref<16x1024xf32, #tpu.memory_space<vmem>>
    %dma_start3A_46 = arith.constant 0 : i32
    %dma_start3A_47 = tpu.memref_slice %arg5[%dma_start3A_40, %dma_start3A_46] : memref<4x16xi32, #tpu.memory_space<vmem>> -> memref<1x16xi32, #tpu.memory_space<vmem>>
    %dma_start3A_48 = tpu.memref_squeeze %dma_start3A_47 : memref<1x16xi32, #tpu.memory_space<vmem>> -> memref<16xi32, #tpu.memory_space<vmem>>
    %dma_start3A_49 = arith.constant 0 : i32
    %dma_start3A_50 = arith.constant 0 : i32
    %dma_start3A_51 = tpu.memref_slice %arg2[%dma_start3A_49, %dma_start3A_50] : memref<4096x1024xf32, #tpu.memory_space<hbm>> -> memref<4096x1024xf32, #tpu.memory_space<hbm>>
    tpu.enqueue_indirect_dma source(%dma_start3A_51 : memref<4096x1024xf32, #tpu.memory_space<hbm>>) target(%dma_start3A_45 : memref<16x1024xf32, #tpu.memory_space<vmem>>) offsets(%dma_start3A_48 : memref<16xi32, #tpu.memory_space<vmem>>) semaphore(%arg10 : memref<!tpu.dma_semaphore, #tpu.memory_space<semaphore_mem>>)
    %dma_wait3A = arith.constant 0 : i32
    %dma_wait3A_52 = arith.constant 0 : i32
    %dma_wait3A_53 = arith.constant 0 : i32
    %dma_wait3A_54 = arith.constant 0 : i32
    %dma_wait3A_55 = tpu.memref_slice %arg6[%dma_wait3A_52, %dma_wait3A_53, %dma_wait3A_54] : memref<4x16x1024xf32, #tpu.memory_space<vmem>> -> memref<1x16x1024xf32, #tpu.memory_space<vmem>>
    %dma_wait3A_56 = tpu.memref_squeeze %dma_wait3A_55 : memref<1x16x1024xf32, #tpu.memory_space<vmem>> -> memref<16x1024xf32, #tpu.memory_space<vmem>>
    %dma_wait3A_57 = arith.constant 0 : i32
    %dma_wait3A_58 = tpu.memref_slice %arg5[%dma_wait3A, %dma_wait3A_57] : memref<4x16xi32, #tpu.memory_space<vmem>> -> memref<1x16xi32, #tpu.memory_space<vmem>>
    %dma_wait3A_59 = tpu.memref_squeeze %dma_wait3A_58 : memref<1x16xi32, #tpu.memory_space<vmem>> -> memref<16xi32, #tpu.memory_space<vmem>>
    %dma_wait3A_60 = arith.constant 0 : i32
    %dma_wait3A_61 = arith.constant 0 : i32
    %dma_wait3A_62 = tpu.memref_slice %arg2[%dma_wait3A_60, %dma_wait3A_61] : memref<4096x1024xf32, #tpu.memory_space<hbm>> -> memref<4096x1024xf32, #tpu.memory_space<hbm>>
    tpu.wait_indirect_dma semaphore(%arg7 : memref<!tpu.dma_semaphore, #tpu.memory_space<semaphore_mem>>) src(%dma_wait3A_62 : memref<4096x1024xf32, #tpu.memory_space<hbm>>) dst(%dma_wait3A_56 : memref<16x1024xf32, #tpu.memory_space<vmem>>)
    %add3A_63 = arith.constant 0 : i32
    %add3A_64 = arith.addi %mul3A_2, %add3A_63 : i32
    %dma_start3A_65 = arith.constant 0 : i32
    %dma_start3A_66 = arith.constant 0 : i32
    %dma_start3A_67 = arith.constant 0 : i32
    %dma_start3A_68 = tpu.memref_slice %arg6[%dma_start3A_65, %dma_start3A_66, %dma_start3A_67] : memref<4x16x1024xf32, #tpu.memory_space<vmem>> -> memref<1x16x1024xf32, #tpu.memory_space<vmem>>
    %dma_start3A_69 = tpu.memref_squeeze %dma_start3A_68 : memref<1x16x1024xf32, #tpu.memory_space<vmem>> -> memref<16x1024xf32, #tpu.memory_space<vmem>>
    %dma_start3A_70 = arith.constant 0 : i32
    %dma_start3A_71 = tpu.memref_slice %arg4[%add3A_64, %dma_start3A_70] : memref<2048x1024xf32, #tpu.memory_space<hbm>> -> memref<16x1024xf32, #tpu.memory_space<hbm>>
    %dma_start3A_72 = arith.constant 0 : i32
    %dma_start3A_73 = tpu.memref_slice %arg4[%add3A_64, %dma_start3A_72] : memref<2048x1024xf32, #tpu.memory_space<hbm>> -> memref<16x1024xf32, #tpu.memory_space<hbm>>
    %dma_start3A_74 = arith.constant 0 : i32
    %dma_start3A_75 = arith.constant 0 : i32
    %dma_start3A_76 = tpu.memref_slice %arg6[%dma_start3A_65, %dma_start3A_74, %dma_start3A_75] : memref<4x16x1024xf32, #tpu.memory_space<vmem>> -> memref<1x16x1024xf32, #tpu.memory_space<vmem>>
    %dma_start3A_77 = tpu.memref_squeeze %dma_start3A_76 : memref<1x16x1024xf32, #tpu.memory_space<vmem>> -> memref<16x1024xf32, #tpu.memory_space<vmem>>
    tpu.enqueue_dma source(%dma_start3A_77 : memref<16x1024xf32, #tpu.memory_space<vmem>>) target(%dma_start3A_73 : memref<16x1024xf32, #tpu.memory_space<hbm>>) target_semaphore(%arg11 : memref<!tpu.dma_semaphore, #tpu.memory_space<semaphore_mem>>)
    %dma_wait3A_78 = arith.constant 1 : i32
    %dma_wait3A_79 = arith.constant 1 : i32
    %dma_wait3A_80 = arith.constant 0 : i32
    %dma_wait3A_81 = arith.constant 0 : i32
    %dma_wait3A_82 = tpu.memref_slice %arg6[%dma_wait3A_79, %dma_wait3A_80, %dma_wait3A_81] : memref<4x16x1024xf32, #tpu.memory_space<vmem>> -> memref<1x16x1024xf32, #tpu.memory_space<vmem>>
    %dma_wait3A_83 = tpu.memref_squeeze %dma_wait3A_82 : memref<1x16x1024xf32, #tpu.memory_space<vmem>> -> memref<16x1024xf32, #tpu.memory_space<vmem>>
    %dma_wait3A_84 = arith.constant 0 : i32
    %dma_wait3A_85 = tpu.memref_slice %arg5[%dma_wait3A_78, %dma_wait3A_84] : memref<4x16xi32, #tpu.memory_space<vmem>> -> memref<1x16xi32, #tpu.memory_space<vmem>>
    %dma_wait3A_86 = tpu.memref_squeeze %dma_wait3A_85 : memref<1x16xi32, #tpu.memory_space<vmem>> -> memref<16xi32, #tpu.memory_space<vmem>>
    %dma_wait3A_87 = arith.constant 0 : i32
    %dma_wait3A_88 = arith.constant 0 : i32
    %dma_wait3A_89 = tpu.memref_slice %arg2[%dma_wait3A_87, %dma_wait3A_88] : memref<4096x1024xf32, #tpu.memory_space<hbm>> -> memref<4096x1024xf32, #tpu.memory_space<hbm>>
    tpu.wait_indirect_dma semaphore(%arg8 : memref<!tpu.dma_semaphore, #tpu.memory_space<semaphore_mem>>) src(%dma_wait3A_89 : memref<4096x1024xf32, #tpu.memory_space<hbm>>) dst(%dma_wait3A_83 : memref<16x1024xf32, #tpu.memory_space<vmem>>)
    %add3A_90 = arith.constant 16 : i32
    %add3A_91 = arith.addi %mul3A_2, %add3A_90 : i32
    %dma_start3A_92 = arith.constant 1 : i32
    %dma_start3A_93 = arith.constant 0 : i32
    %dma_start3A_94 = arith.constant 0 : i32
    %dma_start3A_95 = tpu.memref_slice %arg6[%dma_start3A_92, %dma_start3A_93, %dma_start3A_94] : memref<4x16x1024xf32, #tpu.memory_space<vmem>> -> memref<1x16x1024xf32, #tpu.memory_space<vmem>>
    %dma_start3A_96 = tpu.memref_squeeze %dma_start3A_95 : memref<1x16x1024xf32, #tpu.memory_space<vmem>> -> memref<16x1024xf32, #tpu.memory_space<vmem>>
    %dma_start3A_97 = arith.constant 0 : i32
    %dma_start3A_98 = tpu.memref_slice %arg4[%add3A_91, %dma_start3A_97] : memref<2048x1024xf32, #tpu.memory_space<hbm>> -> memref<16x1024xf32, #tpu.memory_space<hbm>>
    %dma_start3A_99 = arith.constant 0 : i32
    %dma_start3A_100 = tpu.memref_slice %arg4[%add3A_91, %dma_start3A_99] : memref<2048x1024xf32, #tpu.memory_space<hbm>> -> memref<16x1024xf32, #tpu.memory_space<hbm>>
    %dma_start3A_101 = arith.constant 0 : i32
    %dma_start3A_102 = arith.constant 0 : i32
    %dma_start3A_103 = tpu.memref_slice %arg6[%dma_start3A_92, %dma_start3A_101, %dma_start3A_102] : memref<4x16x1024xf32, #tpu.memory_space<vmem>> -> memref<1x16x1024xf32, #tpu.memory_space<vmem>>
    %dma_start3A_104 = tpu.memref_squeeze %dma_start3A_103 : memref<1x16x1024xf32, #tpu.memory_space<vmem>> -> memref<16x1024xf32, #tpu.memory_space<vmem>>
    tpu.enqueue_dma source(%dma_start3A_104 : memref<16x1024xf32, #tpu.memory_space<vmem>>) target(%dma_start3A_100 : memref<16x1024xf32, #tpu.memory_space<hbm>>) target_semaphore(%arg12 : memref<!tpu.dma_semaphore, #tpu.memory_space<semaphore_mem>>)
    %dma_wait3A_105 = arith.constant 2 : i32
    %dma_wait3A_106 = arith.constant 2 : i32
    %dma_wait3A_107 = arith.constant 0 : i32
    %dma_wait3A_108 = arith.constant 0 : i32
    %dma_wait3A_109 = tpu.memref_slice %arg6[%dma_wait3A_106, %dma_wait3A_107, %dma_wait3A_108] : memref<4x16x1024xf32, #tpu.memory_space<vmem>> -> memref<1x16x1024xf32, #tpu.memory_space<vmem>>
    %dma_wait3A_110 = tpu.memref_squeeze %dma_wait3A_109 : memref<1x16x1024xf32, #tpu.memory_space<vmem>> -> memref<16x1024xf32, #tpu.memory_space<vmem>>
    %dma_wait3A_111 = arith.constant 0 : i32
    %dma_wait3A_112 = tpu.memref_slice %arg5[%dma_wait3A_105, %dma_wait3A_111] : memref<4x16xi32, #tpu.memory_space<vmem>> -> memref<1x16xi32, #tpu.memory_space<vmem>>
    %dma_wait3A_113 = tpu.memref_squeeze %dma_wait3A_112 : memref<1x16xi32, #tpu.memory_space<vmem>> -> memref<16xi32, #tpu.memory_space<vmem>>
    %dma_wait3A_114 = arith.constant 0 : i32
    %dma_wait3A_115 = arith.constant 0 : i32
    %dma_wait3A_116 = tpu.memref_slice %arg2[%dma_wait3A_114, %dma_wait3A_115] : memref<4096x1024xf32, #tpu.memory_space<hbm>> -> memref<4096x1024xf32, #tpu.memory_space<hbm>>
    tpu.wait_indirect_dma semaphore(%arg9 : memref<!tpu.dma_semaphore, #tpu.memory_space<semaphore_mem>>) src(%dma_wait3A_116 : memref<4096x1024xf32, #tpu.memory_space<hbm>>) dst(%dma_wait3A_110 : memref<16x1024xf32, #tpu.memory_space<vmem>>)
    %add3A_117 = arith.constant 32 : i32
    %add3A_118 = arith.addi %mul3A_2, %add3A_117 : i32
    %dma_start3A_119 = arith.constant 2 : i32
    %dma_start3A_120 = arith.constant 0 : i32
    %dma_start3A_121 = arith.constant 0 : i32
    %dma_start3A_122 = tpu.memref_slice %arg6[%dma_start3A_119, %dma_start3A_120, %dma_start3A_121] : memref<4x16x1024xf32, #tpu.memory_space<vmem>> -> memref<1x16x1024xf32, #tpu.memory_space<vmem>>
    %dma_start3A_123 = tpu.memref_squeeze %dma_start3A_122 : memref<1x16x1024xf32, #tpu.memory_space<vmem>> -> memref<16x1024xf32, #tpu.memory_space<vmem>>
    %dma_start3A_124 = arith.constant 0 : i32
    %dma_start3A_125 = tpu.memref_slice %arg4[%add3A_118, %dma_start3A_124] : memref<2048x1024xf32, #tpu.memory_space<hbm>> -> memref<16x1024xf32, #tpu.memory_space<hbm>>
    %dma_start3A_126 = arith.constant 0 : i32
    %dma_start3A_127 = tpu.memref_slice %arg4[%add3A_118, %dma_start3A_126] : memref<2048x1024xf32, #tpu.memory_space<hbm>> -> memref<16x1024xf32, #tpu.memory_space<hbm>>
    %dma_start3A_128 = arith.constant 0 : i32
    %dma_start3A_129 = arith.constant 0 : i32
    %dma_start3A_130 = tpu.memref_slice %arg6[%dma_start3A_119, %dma_start3A_128, %dma_start3A_129] : memref<4x16x1024xf32, #tpu.memory_space<vmem>> -> memref<1x16x1024xf32, #tpu.memory_space<vmem>>
    %dma_start3A_131 = tpu.memref_squeeze %dma_start3A_130 : memref<1x16x1024xf32, #tpu.memory_space<vmem>> -> memref<16x1024xf32, #tpu.memory_space<vmem>>
    tpu.enqueue_dma source(%dma_start3A_131 : memref<16x1024xf32, #tpu.memory_space<vmem>>) target(%dma_start3A_127 : memref<16x1024xf32, #tpu.memory_space<hbm>>) target_semaphore(%arg13 : memref<!tpu.dma_semaphore, #tpu.memory_space<semaphore_mem>>)
    %dma_wait3A_132 = arith.constant 3 : i32
    %dma_wait3A_133 = arith.constant 3 : i32
    %dma_wait3A_134 = arith.constant 0 : i32
    %dma_wait3A_135 = arith.constant 0 : i32
    %dma_wait3A_136 = tpu.memref_slice %arg6[%dma_wait3A_133, %dma_wait3A_134, %dma_wait3A_135] : memref<4x16x1024xf32, #tpu.memory_space<vmem>> -> memref<1x16x1024xf32, #tpu.memory_space<vmem>>
    %dma_wait3A_137 = tpu.memref_squeeze %dma_wait3A_136 : memref<1x16x1024xf32, #tpu.memory_space<vmem>> -> memref<16x1024xf32, #tpu.memory_space<vmem>>
    %dma_wait3A_138 = arith.constant 0 : i32
    %dma_wait3A_139 = tpu.memref_slice %arg5[%dma_wait3A_132, %dma_wait3A_138] : memref<4x16xi32, #tpu.memory_space<vmem>> -> memref<1x16xi32, #tpu.memory_space<vmem>>
    %dma_wait3A_140 = tpu.memref_squeeze %dma_wait3A_139 : memref<1x16xi32, #tpu.memory_space<vmem>> -> memref<16xi32, #tpu.memory_space<vmem>>
    %dma_wait3A_141 = arith.constant 0 : i32
    %dma_wait3A_142 = arith.constant 0 : i32
    %dma_wait3A_143 = tpu.memref_slice %arg2[%dma_wait3A_141, %dma_wait3A_142] : memref<4096x1024xf32, #tpu.memory_space<hbm>> -> memref<4096x1024xf32, #tpu.memory_space<hbm>>
    tpu.wait_indirect_dma semaphore(%arg10 : memref<!tpu.dma_semaphore, #tpu.memory_space<semaphore_mem>>) src(%dma_wait3A_143 : memref<4096x1024xf32, #tpu.memory_space<hbm>>) dst(%dma_wait3A_137 : memref<16x1024xf32, #tpu.memory_space<vmem>>)
    %add3A_144 = arith.constant 48 : i32
    %add3A_145 = arith.addi %mul3A_2, %add3A_144 : i32
    %dma_start3A_146 = arith.constant 3 : i32
    %dma_start3A_147 = arith.constant 0 : i32
    %dma_start3A_148 = arith.constant 0 : i32
    %dma_start3A_149 = tpu.memref_slice %arg6[%dma_start3A_146, %dma_start3A_147, %dma_start3A_148] : memref<4x16x1024xf32, #tpu.memory_space<vmem>> -> memref<1x16x1024xf32, #tpu.memory_space<vmem>>
    %dma_start3A_150 = tpu.memref_squeeze %dma_start3A_149 : memref<1x16x1024xf32, #tpu.memory_space<vmem>> -> memref<16x1024xf32, #tpu.memory_space<vmem>>
    %dma_start3A_151 = arith.constant 0 : i32
    %dma_start3A_152 = tpu.memref_slice %arg4[%add3A_145, %dma_start3A_151] : memref<2048x1024xf32, #tpu.memory_space<hbm>> -> memref<16x1024xf32, #tpu.memory_space<hbm>>
    %dma_start3A_153 = arith.constant 0 : i32
    %dma_start3A_154 = tpu.memref_slice %arg4[%add3A_145, %dma_start3A_153] : memref<2048x1024xf32, #tpu.memory_space<hbm>> -> memref<16x1024xf32, #tpu.memory_space<hbm>>
    %dma_start3A_155 = arith.constant 0 : i32
    %dma_start3A_156 = arith.constant 0 : i32
    %dma_start3A_157 = tpu.memref_slice %arg6[%dma_start3A_146, %dma_start3A_155, %dma_start3A_156] : memref<4x16x1024xf32, #tpu.memory_space<vmem>> -> memref<1x16x1024xf32, #tpu.memory_space<vmem>>
    %dma_start3A_158 = tpu.memref_squeeze %dma_start3A_157 : memref<1x16x1024xf32, #tpu.memory_space<vmem>> -> memref<16x1024xf32, #tpu.memory_space<vmem>>
    tpu.enqueue_dma source(%dma_start3A_158 : memref<16x1024xf32, #tpu.memory_space<vmem>>) target(%dma_start3A_154 : memref<16x1024xf32, #tpu.memory_space<hbm>>) target_semaphore(%arg14 : memref<!tpu.dma_semaphore, #tpu.memory_space<semaphore_mem>>)
    %dma_wait3A_159 = arith.constant 0 : i32
    %dma_wait3A_160 = arith.constant 0 : i32
    %dma_wait3A_161 = arith.constant 0 : i32
    %dma_wait3A_162 = tpu.memref_slice %arg6[%dma_wait3A_159, %dma_wait3A_160, %dma_wait3A_161] : memref<4x16x1024xf32, #tpu.memory_space<vmem>> -> memref<1x16x1024xf32, #tpu.memory_space<vmem>>
    %dma_wait3A_163 = tpu.memref_squeeze %dma_wait3A_162 : memref<1x16x1024xf32, #tpu.memory_space<vmem>> -> memref<16x1024xf32, #tpu.memory_space<vmem>>
    %dma_wait3A_164 = arith.constant 0 : i32
    %dma_wait3A_165 = tpu.memref_slice %arg4[%add3A_64, %dma_wait3A_164] : memref<2048x1024xf32, #tpu.memory_space<hbm>> -> memref<16x1024xf32, #tpu.memory_space<hbm>>
    %dma_wait3A_166 = arith.constant 0 : i32
    %dma_wait3A_167 = tpu.memref_slice %arg4[%add3A_64, %dma_wait3A_166] : memref<2048x1024xf32, #tpu.memory_space<hbm>> -> memref<16x1024xf32, #tpu.memory_space<hbm>>
    %dma_wait3A_168 = arith.constant 0 : i32
    %dma_wait3A_169 = arith.constant 0 : i32
    %dma_wait3A_170 = tpu.memref_slice %arg6[%dma_wait3A_159, %dma_wait3A_168, %dma_wait3A_169] : memref<4x16x1024xf32, #tpu.memory_space<vmem>> -> memref<1x16x1024xf32, #tpu.memory_space<vmem>>
    %dma_wait3A_171 = tpu.memref_squeeze %dma_wait3A_170 : memref<1x16x1024xf32, #tpu.memory_space<vmem>> -> memref<16x1024xf32, #tpu.memory_space<vmem>>
    tpu.wait_dma2 semaphore(%arg11 : memref<!tpu.dma_semaphore, #tpu.memory_space<semaphore_mem>>) src(%dma_wait3A_171 : memref<16x1024xf32, #tpu.memory_space<vmem>>) dst(%dma_wait3A_167 : memref<16x1024xf32, #tpu.memory_space<hbm>>)
    %dma_wait3A_172 = arith.constant 1 : i32
    %dma_wait3A_173 = arith.constant 0 : i32
    %dma_wait3A_174 = arith.constant 0 : i32
    %dma_wait3A_175 = tpu.memref_slice %arg6[%dma_wait3A_172, %dma_wait3A_173, %dma_wait3A_174] : memref<4x16x1024xf32, #tpu.memory_space<vmem>> -> memref<1x16x1024xf32, #tpu.memory_space<vmem>>
    %dma_wait3A_176 = tpu.memref_squeeze %dma_wait3A_175 : memref<1x16x1024xf32, #tpu.memory_space<vmem>> -> memref<16x1024xf32, #tpu.memory_space<vmem>>
    %dma_wait3A_177 = arith.constant 0 : i32
    %dma_wait3A_178 = tpu.memref_slice %arg4[%add3A_91, %dma_wait3A_177] : memref<2048x1024xf32, #tpu.memory_space<hbm>> -> memref<16x1024xf32, #tpu.memory_space<hbm>>
    %dma_wait3A_179 = arith.constant 0 : i32
    %dma_wait3A_180 = tpu.memref_slice %arg4[%add3A_91, %dma_wait3A_179] : memref<2048x1024xf32, #tpu.memory_space<hbm>> -> memref<16x1024xf32, #tpu.memory_space<hbm>>
    %dma_wait3A_181 = arith.constant 0 : i32
    %dma_wait3A_182 = arith.constant 0 : i32
    %dma_wait3A_183 = tpu.memref_slice %arg6[%dma_wait3A_172, %dma_wait3A_181, %dma_wait3A_182] : memref<4x16x1024xf32, #tpu.memory_space<vmem>> -> memref<1x16x1024xf32, #tpu.memory_space<vmem>>
    %dma_wait3A_184 = tpu.memref_squeeze %dma_wait3A_183 : memref<1x16x1024xf32, #tpu.memory_space<vmem>> -> memref<16x1024xf32, #tpu.memory_space<vmem>>
    tpu.wait_dma2 semaphore(%arg12 : memref<!tpu.dma_semaphore, #tpu.memory_space<semaphore_mem>>) src(%dma_wait3A_184 : memref<16x1024xf32, #tpu.memory_space<vmem>>) dst(%dma_wait3A_180 : memref<16x1024xf32, #tpu.memory_space<hbm>>)
    %dma_wait3A_185 = arith.constant 2 : i32
    %dma_wait3A_186 = arith.constant 0 : i32
    %dma_wait3A_187 = arith.constant 0 : i32
    %dma_wait3A_188 = tpu.memref_slice %arg6[%dma_wait3A_185, %dma_wait3A_186, %dma_wait3A_187] : memref<4x16x1024xf32, #tpu.memory_space<vmem>> -> memref<1x16x1024xf32, #tpu.memory_space<vmem>>
    %dma_wait3A_189 = tpu.memref_squeeze %dma_wait3A_188 : memref<1x16x1024xf32, #tpu.memory_space<vmem>> -> memref<16x1024xf32, #tpu.memory_space<vmem>>
    %dma_wait3A_190 = arith.constant 0 : i32
    %dma_wait3A_191 = tpu.memref_slice %arg4[%add3A_118, %dma_wait3A_190] : memref<2048x1024xf32, #tpu.memory_space<hbm>> -> memref<16x1024xf32, #tpu.memory_space<hbm>>
    %dma_wait3A_192 = arith.constant 0 : i32
    %dma_wait3A_193 = tpu.memref_slice %arg4[%add3A_118, %dma_wait3A_192] : memref<2048x1024xf32, #tpu.memory_space<hbm>> -> memref<16x1024xf32, #tpu.memory_space<hbm>>
    %dma_wait3A_194 = arith.constant 0 : i32
    %dma_wait3A_195 = arith.constant 0 : i32
    %dma_wait3A_196 = tpu.memref_slice %arg6[%dma_wait3A_185, %dma_wait3A_194, %dma_wait3A_195] : memref<4x16x1024xf32, #tpu.memory_space<vmem>> -> memref<1x16x1024xf32, #tpu.memory_space<vmem>>
    %dma_wait3A_197 = tpu.memref_squeeze %dma_wait3A_196 : memref<1x16x1024xf32, #tpu.memory_space<vmem>> -> memref<16x1024xf32, #tpu.memory_space<vmem>>
    tpu.wait_dma2 semaphore(%arg13 : memref<!tpu.dma_semaphore, #tpu.memory_space<semaphore_mem>>) src(%dma_wait3A_197 : memref<16x1024xf32, #tpu.memory_space<vmem>>) dst(%dma_wait3A_193 : memref<16x1024xf32, #tpu.memory_space<hbm>>)
    %dma_wait3A_198 = arith.constant 3 : i32
    %dma_wait3A_199 = arith.constant 0 : i32
    %dma_wait3A_200 = arith.constant 0 : i32
    %dma_wait3A_201 = tpu.memref_slice %arg6[%dma_wait3A_198, %dma_wait3A_199, %dma_wait3A_200] : memref<4x16x1024xf32, #tpu.memory_space<vmem>> -> memref<1x16x1024xf32, #tpu.memory_space<vmem>>
    %dma_wait3A_202 = tpu.memref_squeeze %dma_wait3A_201 : memref<1x16x1024xf32, #tpu.memory_space<vmem>> -> memref<16x1024xf32, #tpu.memory_space<vmem>>
    %dma_wait3A_203 = arith.constant 0 : i32
    %dma_wait3A_204 = tpu.memref_slice %arg4[%add3A_145, %dma_wait3A_203] : memref<2048x1024xf32, #tpu.memory_space<hbm>> -> memref<16x1024xf32, #tpu.memory_space<hbm>>
    %dma_wait3A_205 = arith.constant 0 : i32
    %dma_wait3A_206 = tpu.memref_slice %arg4[%add3A_145, %dma_wait3A_205] : memref<2048x1024xf32, #tpu.memory_space<hbm>> -> memref<16x1024xf32, #tpu.memory_space<hbm>>
    %dma_wait3A_207 = arith.constant 0 : i32
    %dma_wait3A_208 = arith.constant 0 : i32
    %dma_wait3A_209 = tpu.memref_slice %arg6[%dma_wait3A_198, %dma_wait3A_207, %dma_wait3A_208] : memref<4x16x1024xf32, #tpu.memory_space<vmem>> -> memref<1x16x1024xf32, #tpu.memory_space<vmem>>
    %dma_wait3A_210 = tpu.memref_squeeze %dma_wait3A_209 : memref<1x16x1024xf32, #tpu.memory_space<vmem>> -> memref<16x1024xf32, #tpu.memory_space<vmem>>
    tpu.wait_dma2 semaphore(%arg14 : memref<!tpu.dma_semaphore, #tpu.memory_space<semaphore_mem>>) src(%dma_wait3A_210 : memref<16x1024xf32, #tpu.memory_space<vmem>>) dst(%dma_wait3A_206 : memref<16x1024xf32, #tpu.memory_space<hbm>>)
    return
  }
}

#map = affine_map<(d0, d1) -> (0, 0)>
module attributes {stable_mosaic.version = 14 : i64} {
  func.func @scatter_k(%arg0: i32, %arg1: i32, %arg2: memref<2048x1024xf32, #tpu.memory_space<hbm>>, %arg3: memref<128x16xi32, #tpu.memory_space<hbm>>, %arg4: memref<4096x1024xf32, #tpu.memory_space<hbm>>, %arg5: memref<4x16xi32, #tpu.memory_space<vmem>>, %arg6: memref<4x16x1024xf32, #tpu.memory_space<vmem>>, %arg7: memref<!tpu.dma_semaphore, #tpu.memory_space<semaphore_mem>>, %arg8: memref<!tpu.dma_semaphore, #tpu.memory_space<semaphore_mem>>, %arg9: memref<!tpu.dma_semaphore, #tpu.memory_space<semaphore_mem>>, %arg10: memref<!tpu.dma_semaphore, #tpu.memory_space<semaphore_mem>>, %arg11: memref<!tpu.dma_semaphore, #tpu.memory_space<semaphore_mem>>, %arg12: memref<!tpu.dma_semaphore, #tpu.memory_space<semaphore_mem>>, %arg13: memref<!tpu.dma_semaphore, #tpu.memory_space<semaphore_mem>>, %arg14: memref<!tpu.dma_semaphore, #tpu.memory_space<semaphore_mem>>) attributes {dimension_semantics = [#tpu.dimension_semantics<core_parallel>, #tpu.dimension_semantics<subcore_parallel>], iteration_bounds = array<i64: 2, 16>, scalar_prefetch = 0 : i64, scratch_operands = 10 : i64, tpu.core_type = #tpu.core_type<sc_vector_subcore>, window_params = [{transform_indices = #map}, {transform_indices = #map}, {transform_indices = #map}]} {
    %mul3A = arith.constant 2 : i32
    %mul3A_0 = arith.muli %arg1, %mul3A : i32
    %add3A = arith.addi %mul3A_0, %arg0 : i32
    %mul3A_1 = arith.constant 64 : i32
    %mul3A_2 = arith.muli %add3A, %mul3A_1 : i32
    %mul3A_3 = arith.constant 4 : i32
    %mul3A_4 = arith.muli %add3A, %mul3A_3 : i32
    "tpu.region"() ({
      %run_scoped3A = tpu.sem_alloc : memref<!tpu.dma_semaphore, #tpu.memory_space<semaphore_mem>>
      %dma_start3A_211 = arith.constant 0 : i32
      %dma_start3A_212 = tpu.memref_slice %arg3[%mul3A_4, %dma_start3A_211] : memref<128x16xi32, #tpu.memory_space<hbm>> -> memref<4x16xi32, #tpu.memory_space<hbm>>
      %dma_start3A_213 = arith.constant 0 : i32
      %dma_start3A_214 = tpu.memref_slice %arg3[%mul3A_4, %dma_start3A_213] : memref<128x16xi32, #tpu.memory_space<hbm>> -> memref<4x16xi32, #tpu.memory_space<hbm>>
      tpu.enqueue_dma source(%dma_start3A_214 : memref<4x16xi32, #tpu.memory_space<hbm>>) target(%arg5 : memref<4x16xi32, #tpu.memory_space<vmem>>) target_semaphore(%run_scoped3A : memref<!tpu.dma_semaphore, #tpu.memory_space<semaphore_mem>>)
      %dma_wait3A_215 = arith.constant 0 : i32
      %dma_wait3A_216 = tpu.memref_slice %arg3[%mul3A_4, %dma_wait3A_215] : memref<128x16xi32, #tpu.memory_space<hbm>> -> memref<4x16xi32, #tpu.memory_space<hbm>>
      %dma_wait3A_217 = arith.constant 0 : i32
      %dma_wait3A_218 = tpu.memref_slice %arg3[%mul3A_4, %dma_wait3A_217] : memref<128x16xi32, #tpu.memory_space<hbm>> -> memref<4x16xi32, #tpu.memory_space<hbm>>
      tpu.wait_dma2 semaphore(%run_scoped3A : memref<!tpu.dma_semaphore, #tpu.memory_space<semaphore_mem>>) src(%dma_wait3A_218 : memref<4x16xi32, #tpu.memory_space<hbm>>) dst(%arg5 : memref<4x16xi32, #tpu.memory_space<vmem>>)
      tpu.yield
    }) : () -> ()
    %add3A_5 = arith.constant 0 : i32
    %add3A_6 = arith.addi %mul3A_2, %add3A_5 : i32
    %dma_start3A = arith.constant 0 : i32
    %dma_start3A_7 = arith.constant 0 : i32
    %dma_start3A_8 = arith.constant 0 : i32
    %dma_start3A_9 = tpu.memref_slice %arg6[%dma_start3A, %dma_start3A_7, %dma_start3A_8] : memref<4x16x1024xf32, #tpu.memory_space<vmem>> -> memref<1x16x1024xf32, #tpu.memory_space<vmem>>
    %dma_start3A_10 = tpu.memref_squeeze %dma_start3A_9 : memref<1x16x1024xf32, #tpu.memory_space<vmem>> -> memref<16x1024xf32, #tpu.memory_space<vmem>>
    %dma_start3A_11 = arith.constant 0 : i32
    %dma_start3A_12 = tpu.memref_slice %arg2[%add3A_6, %dma_start3A_11] : memref<2048x1024xf32, #tpu.memory_space<hbm>> -> memref<16x1024xf32, #tpu.memory_space<hbm>>
    %dma_start3A_13 = arith.constant 0 : i32
    %dma_start3A_14 = arith.constant 0 : i32
    %dma_start3A_15 = tpu.memref_slice %arg6[%dma_start3A, %dma_start3A_13, %dma_start3A_14] : memref<4x16x1024xf32, #tpu.memory_space<vmem>> -> memref<1x16x1024xf32, #tpu.memory_space<vmem>>
    %dma_start3A_16 = tpu.memref_squeeze %dma_start3A_15 : memref<1x16x1024xf32, #tpu.memory_space<vmem>> -> memref<16x1024xf32, #tpu.memory_space<vmem>>
    %dma_start3A_17 = arith.constant 0 : i32
    %dma_start3A_18 = tpu.memref_slice %arg2[%add3A_6, %dma_start3A_17] : memref<2048x1024xf32, #tpu.memory_space<hbm>> -> memref<16x1024xf32, #tpu.memory_space<hbm>>
    tpu.enqueue_dma source(%dma_start3A_18 : memref<16x1024xf32, #tpu.memory_space<hbm>>) target(%dma_start3A_16 : memref<16x1024xf32, #tpu.memory_space<vmem>>) target_semaphore(%arg7 : memref<!tpu.dma_semaphore, #tpu.memory_space<semaphore_mem>>)
    %add3A_19 = arith.constant 16 : i32
    %add3A_20 = arith.addi %mul3A_2, %add3A_19 : i32
    %dma_start3A_21 = arith.constant 1 : i32
    %dma_start3A_22 = arith.constant 0 : i32
    %dma_start3A_23 = arith.constant 0 : i32
    %dma_start3A_24 = tpu.memref_slice %arg6[%dma_start3A_21, %dma_start3A_22, %dma_start3A_23] : memref<4x16x1024xf32, #tpu.memory_space<vmem>> -> memref<1x16x1024xf32, #tpu.memory_space<vmem>>
    %dma_start3A_25 = tpu.memref_squeeze %dma_start3A_24 : memref<1x16x1024xf32, #tpu.memory_space<vmem>> -> memref<16x1024xf32, #tpu.memory_space<vmem>>
    %dma_start3A_26 = arith.constant 0 : i32
    %dma_start3A_27 = tpu.memref_slice %arg2[%add3A_20, %dma_start3A_26] : memref<2048x1024xf32, #tpu.memory_space<hbm>> -> memref<16x1024xf32, #tpu.memory_space<hbm>>
    %dma_start3A_28 = arith.constant 0 : i32
    %dma_start3A_29 = arith.constant 0 : i32
    %dma_start3A_30 = tpu.memref_slice %arg6[%dma_start3A_21, %dma_start3A_28, %dma_start3A_29] : memref<4x16x1024xf32, #tpu.memory_space<vmem>> -> memref<1x16x1024xf32, #tpu.memory_space<vmem>>
    %dma_start3A_31 = tpu.memref_squeeze %dma_start3A_30 : memref<1x16x1024xf32, #tpu.memory_space<vmem>> -> memref<16x1024xf32, #tpu.memory_space<vmem>>
    %dma_start3A_32 = arith.constant 0 : i32
    %dma_start3A_33 = tpu.memref_slice %arg2[%add3A_20, %dma_start3A_32] : memref<2048x1024xf32, #tpu.memory_space<hbm>> -> memref<16x1024xf32, #tpu.memory_space<hbm>>
    tpu.enqueue_dma source(%dma_start3A_33 : memref<16x1024xf32, #tpu.memory_space<hbm>>) target(%dma_start3A_31 : memref<16x1024xf32, #tpu.memory_space<vmem>>) target_semaphore(%arg8 : memref<!tpu.dma_semaphore, #tpu.memory_space<semaphore_mem>>)
    %add3A_34 = arith.constant 32 : i32
    %add3A_35 = arith.addi %mul3A_2, %add3A_34 : i32
    %dma_start3A_36 = arith.constant 2 : i32
    %dma_start3A_37 = arith.constant 0 : i32
    %dma_start3A_38 = arith.constant 0 : i32
    %dma_start3A_39 = tpu.memref_slice %arg6[%dma_start3A_36, %dma_start3A_37, %dma_start3A_38] : memref<4x16x1024xf32, #tpu.memory_space<vmem>> -> memref<1x16x1024xf32, #tpu.memory_space<vmem>>
    %dma_start3A_40 = tpu.memref_squeeze %dma_start3A_39 : memref<1x16x1024xf32, #tpu.memory_space<vmem>> -> memref<16x1024xf32, #tpu.memory_space<vmem>>
    %dma_start3A_41 = arith.constant 0 : i32
    %dma_start3A_42 = tpu.memref_slice %arg2[%add3A_35, %dma_start3A_41] : memref<2048x1024xf32, #tpu.memory_space<hbm>> -> memref<16x1024xf32, #tpu.memory_space<hbm>>
    %dma_start3A_43 = arith.constant 0 : i32
    %dma_start3A_44 = arith.constant 0 : i32
    %dma_start3A_45 = tpu.memref_slice %arg6[%dma_start3A_36, %dma_start3A_43, %dma_start3A_44] : memref<4x16x1024xf32, #tpu.memory_space<vmem>> -> memref<1x16x1024xf32, #tpu.memory_space<vmem>>
    %dma_start3A_46 = tpu.memref_squeeze %dma_start3A_45 : memref<1x16x1024xf32, #tpu.memory_space<vmem>> -> memref<16x1024xf32, #tpu.memory_space<vmem>>
    %dma_start3A_47 = arith.constant 0 : i32
    %dma_start3A_48 = tpu.memref_slice %arg2[%add3A_35, %dma_start3A_47] : memref<2048x1024xf32, #tpu.memory_space<hbm>> -> memref<16x1024xf32, #tpu.memory_space<hbm>>
    tpu.enqueue_dma source(%dma_start3A_48 : memref<16x1024xf32, #tpu.memory_space<hbm>>) target(%dma_start3A_46 : memref<16x1024xf32, #tpu.memory_space<vmem>>) target_semaphore(%arg9 : memref<!tpu.dma_semaphore, #tpu.memory_space<semaphore_mem>>)
    %add3A_49 = arith.constant 48 : i32
    %add3A_50 = arith.addi %mul3A_2, %add3A_49 : i32
    %dma_start3A_51 = arith.constant 3 : i32
    %dma_start3A_52 = arith.constant 0 : i32
    %dma_start3A_53 = arith.constant 0 : i32
    %dma_start3A_54 = tpu.memref_slice %arg6[%dma_start3A_51, %dma_start3A_52, %dma_start3A_53] : memref<4x16x1024xf32, #tpu.memory_space<vmem>> -> memref<1x16x1024xf32, #tpu.memory_space<vmem>>
    %dma_start3A_55 = tpu.memref_squeeze %dma_start3A_54 : memref<1x16x1024xf32, #tpu.memory_space<vmem>> -> memref<16x1024xf32, #tpu.memory_space<vmem>>
    %dma_start3A_56 = arith.constant 0 : i32
    %dma_start3A_57 = tpu.memref_slice %arg2[%add3A_50, %dma_start3A_56] : memref<2048x1024xf32, #tpu.memory_space<hbm>> -> memref<16x1024xf32, #tpu.memory_space<hbm>>
    %dma_start3A_58 = arith.constant 0 : i32
    %dma_start3A_59 = arith.constant 0 : i32
    %dma_start3A_60 = tpu.memref_slice %arg6[%dma_start3A_51, %dma_start3A_58, %dma_start3A_59] : memref<4x16x1024xf32, #tpu.memory_space<vmem>> -> memref<1x16x1024xf32, #tpu.memory_space<vmem>>
    %dma_start3A_61 = tpu.memref_squeeze %dma_start3A_60 : memref<1x16x1024xf32, #tpu.memory_space<vmem>> -> memref<16x1024xf32, #tpu.memory_space<vmem>>
    %dma_start3A_62 = arith.constant 0 : i32
    %dma_start3A_63 = tpu.memref_slice %arg2[%add3A_50, %dma_start3A_62] : memref<2048x1024xf32, #tpu.memory_space<hbm>> -> memref<16x1024xf32, #tpu.memory_space<hbm>>
    tpu.enqueue_dma source(%dma_start3A_63 : memref<16x1024xf32, #tpu.memory_space<hbm>>) target(%dma_start3A_61 : memref<16x1024xf32, #tpu.memory_space<vmem>>) target_semaphore(%arg10 : memref<!tpu.dma_semaphore, #tpu.memory_space<semaphore_mem>>)
    %dma_wait3A = arith.constant 0 : i32
    %dma_wait3A_64 = arith.constant 0 : i32
    %dma_wait3A_65 = arith.constant 0 : i32
    %dma_wait3A_66 = tpu.memref_slice %arg6[%dma_wait3A, %dma_wait3A_64, %dma_wait3A_65] : memref<4x16x1024xf32, #tpu.memory_space<vmem>> -> memref<1x16x1024xf32, #tpu.memory_space<vmem>>
    %dma_wait3A_67 = tpu.memref_squeeze %dma_wait3A_66 : memref<1x16x1024xf32, #tpu.memory_space<vmem>> -> memref<16x1024xf32, #tpu.memory_space<vmem>>
    %dma_wait3A_68 = arith.constant 0 : i32
    %dma_wait3A_69 = tpu.memref_slice %arg2[%add3A_6, %dma_wait3A_68] : memref<2048x1024xf32, #tpu.memory_space<hbm>> -> memref<16x1024xf32, #tpu.memory_space<hbm>>
    %dma_wait3A_70 = arith.constant 0 : i32
    %dma_wait3A_71 = arith.constant 0 : i32
    %dma_wait3A_72 = tpu.memref_slice %arg6[%dma_wait3A, %dma_wait3A_70, %dma_wait3A_71] : memref<4x16x1024xf32, #tpu.memory_space<vmem>> -> memref<1x16x1024xf32, #tpu.memory_space<vmem>>
    %dma_wait3A_73 = tpu.memref_squeeze %dma_wait3A_72 : memref<1x16x1024xf32, #tpu.memory_space<vmem>> -> memref<16x1024xf32, #tpu.memory_space<vmem>>
    %dma_wait3A_74 = arith.constant 0 : i32
    %dma_wait3A_75 = tpu.memref_slice %arg2[%add3A_6, %dma_wait3A_74] : memref<2048x1024xf32, #tpu.memory_space<hbm>> -> memref<16x1024xf32, #tpu.memory_space<hbm>>
    tpu.wait_dma2 semaphore(%arg7 : memref<!tpu.dma_semaphore, #tpu.memory_space<semaphore_mem>>) src(%dma_wait3A_75 : memref<16x1024xf32, #tpu.memory_space<hbm>>) dst(%dma_wait3A_73 : memref<16x1024xf32, #tpu.memory_space<vmem>>)
    %dma_start3A_76 = arith.constant 0 : i32
    %dma_start3A_77 = arith.constant 0 : i32
    %dma_start3A_78 = arith.constant 0 : i32
    %dma_start3A_79 = arith.constant 0 : i32
    %dma_start3A_80 = tpu.memref_slice %arg6[%dma_start3A_76, %dma_start3A_78, %dma_start3A_79] : memref<4x16x1024xf32, #tpu.memory_space<vmem>> -> memref<1x16x1024xf32, #tpu.memory_space<vmem>>
    %dma_start3A_81 = tpu.memref_squeeze %dma_start3A_80 : memref<1x16x1024xf32, #tpu.memory_space<vmem>> -> memref<16x1024xf32, #tpu.memory_space<vmem>>
    %dma_start3A_82 = arith.constant 0 : i32
    %dma_start3A_83 = tpu.memref_slice %arg5[%dma_start3A_77, %dma_start3A_82] : memref<4x16xi32, #tpu.memory_space<vmem>> -> memref<1x16xi32, #tpu.memory_space<vmem>>
    %dma_start3A_84 = tpu.memref_squeeze %dma_start3A_83 : memref<1x16xi32, #tpu.memory_space<vmem>> -> memref<16xi32, #tpu.memory_space<vmem>>
    %dma_start3A_85 = arith.constant 0 : i32
    %dma_start3A_86 = arith.constant 0 : i32
    %dma_start3A_87 = tpu.memref_slice %arg4[%dma_start3A_85, %dma_start3A_86] : memref<4096x1024xf32, #tpu.memory_space<hbm>> -> memref<4096x1024xf32, #tpu.memory_space<hbm>>
    tpu.enqueue_indirect_dma source(%dma_start3A_81 : memref<16x1024xf32, #tpu.memory_space<vmem>>) target(%dma_start3A_87 : memref<4096x1024xf32, #tpu.memory_space<hbm>>) offsets(%dma_start3A_84 : memref<16xi32, #tpu.memory_space<vmem>>) semaphore(%arg11 : memref<!tpu.dma_semaphore, #tpu.memory_space<semaphore_mem>>)
    %dma_wait3A_88 = arith.constant 1 : i32
    %dma_wait3A_89 = arith.constant 0 : i32
    %dma_wait3A_90 = arith.constant 0 : i32
    %dma_wait3A_91 = tpu.memref_slice %arg6[%dma_wait3A_88, %dma_wait3A_89, %dma_wait3A_90] : memref<4x16x1024xf32, #tpu.memory_space<vmem>> -> memref<1x16x1024xf32, #tpu.memory_space<vmem>>
    %dma_wait3A_92 = tpu.memref_squeeze %dma_wait3A_91 : memref<1x16x1024xf32, #tpu.memory_space<vmem>> -> memref<16x1024xf32, #tpu.memory_space<vmem>>
    %dma_wait3A_93 = arith.constant 0 : i32
    %dma_wait3A_94 = tpu.memref_slice %arg2[%add3A_20, %dma_wait3A_93] : memref<2048x1024xf32, #tpu.memory_space<hbm>> -> memref<16x1024xf32, #tpu.memory_space<hbm>>
    %dma_wait3A_95 = arith.constant 0 : i32
    %dma_wait3A_96 = arith.constant 0 : i32
    %dma_wait3A_97 = tpu.memref_slice %arg6[%dma_wait3A_88, %dma_wait3A_95, %dma_wait3A_96] : memref<4x16x1024xf32, #tpu.memory_space<vmem>> -> memref<1x16x1024xf32, #tpu.memory_space<vmem>>
    %dma_wait3A_98 = tpu.memref_squeeze %dma_wait3A_97 : memref<1x16x1024xf32, #tpu.memory_space<vmem>> -> memref<16x1024xf32, #tpu.memory_space<vmem>>
    %dma_wait3A_99 = arith.constant 0 : i32
    %dma_wait3A_100 = tpu.memref_slice %arg2[%add3A_20, %dma_wait3A_99] : memref<2048x1024xf32, #tpu.memory_space<hbm>> -> memref<16x1024xf32, #tpu.memory_space<hbm>>
    tpu.wait_dma2 semaphore(%arg8 : memref<!tpu.dma_semaphore, #tpu.memory_space<semaphore_mem>>) src(%dma_wait3A_100 : memref<16x1024xf32, #tpu.memory_space<hbm>>) dst(%dma_wait3A_98 : memref<16x1024xf32, #tpu.memory_space<vmem>>)
    %dma_start3A_101 = arith.constant 1 : i32
    %dma_start3A_102 = arith.constant 1 : i32
    %dma_start3A_103 = arith.constant 0 : i32
    %dma_start3A_104 = arith.constant 0 : i32
    %dma_start3A_105 = tpu.memref_slice %arg6[%dma_start3A_101, %dma_start3A_103, %dma_start3A_104] : memref<4x16x1024xf32, #tpu.memory_space<vmem>> -> memref<1x16x1024xf32, #tpu.memory_space<vmem>>
    %dma_start3A_106 = tpu.memref_squeeze %dma_start3A_105 : memref<1x16x1024xf32, #tpu.memory_space<vmem>> -> memref<16x1024xf32, #tpu.memory_space<vmem>>
    %dma_start3A_107 = arith.constant 0 : i32
    %dma_start3A_108 = tpu.memref_slice %arg5[%dma_start3A_102, %dma_start3A_107] : memref<4x16xi32, #tpu.memory_space<vmem>> -> memref<1x16xi32, #tpu.memory_space<vmem>>
    %dma_start3A_109 = tpu.memref_squeeze %dma_start3A_108 : memref<1x16xi32, #tpu.memory_space<vmem>> -> memref<16xi32, #tpu.memory_space<vmem>>
    %dma_start3A_110 = arith.constant 0 : i32
    %dma_start3A_111 = arith.constant 0 : i32
    %dma_start3A_112 = tpu.memref_slice %arg4[%dma_start3A_110, %dma_start3A_111] : memref<4096x1024xf32, #tpu.memory_space<hbm>> -> memref<4096x1024xf32, #tpu.memory_space<hbm>>
    tpu.enqueue_indirect_dma source(%dma_start3A_106 : memref<16x1024xf32, #tpu.memory_space<vmem>>) target(%dma_start3A_112 : memref<4096x1024xf32, #tpu.memory_space<hbm>>) offsets(%dma_start3A_109 : memref<16xi32, #tpu.memory_space<vmem>>) semaphore(%arg12 : memref<!tpu.dma_semaphore, #tpu.memory_space<semaphore_mem>>)
    %dma_wait3A_113 = arith.constant 2 : i32
    %dma_wait3A_114 = arith.constant 0 : i32
    %dma_wait3A_115 = arith.constant 0 : i32
    %dma_wait3A_116 = tpu.memref_slice %arg6[%dma_wait3A_113, %dma_wait3A_114, %dma_wait3A_115] : memref<4x16x1024xf32, #tpu.memory_space<vmem>> -> memref<1x16x1024xf32, #tpu.memory_space<vmem>>
    %dma_wait3A_117 = tpu.memref_squeeze %dma_wait3A_116 : memref<1x16x1024xf32, #tpu.memory_space<vmem>> -> memref<16x1024xf32, #tpu.memory_space<vmem>>
    %dma_wait3A_118 = arith.constant 0 : i32
    %dma_wait3A_119 = tpu.memref_slice %arg2[%add3A_35, %dma_wait3A_118] : memref<2048x1024xf32, #tpu.memory_space<hbm>> -> memref<16x1024xf32, #tpu.memory_space<hbm>>
    %dma_wait3A_120 = arith.constant 0 : i32
    %dma_wait3A_121 = arith.constant 0 : i32
    %dma_wait3A_122 = tpu.memref_slice %arg6[%dma_wait3A_113, %dma_wait3A_120, %dma_wait3A_121] : memref<4x16x1024xf32, #tpu.memory_space<vmem>> -> memref<1x16x1024xf32, #tpu.memory_space<vmem>>
    %dma_wait3A_123 = tpu.memref_squeeze %dma_wait3A_122 : memref<1x16x1024xf32, #tpu.memory_space<vmem>> -> memref<16x1024xf32, #tpu.memory_space<vmem>>
    %dma_wait3A_124 = arith.constant 0 : i32
    %dma_wait3A_125 = tpu.memref_slice %arg2[%add3A_35, %dma_wait3A_124] : memref<2048x1024xf32, #tpu.memory_space<hbm>> -> memref<16x1024xf32, #tpu.memory_space<hbm>>
    tpu.wait_dma2 semaphore(%arg9 : memref<!tpu.dma_semaphore, #tpu.memory_space<semaphore_mem>>) src(%dma_wait3A_125 : memref<16x1024xf32, #tpu.memory_space<hbm>>) dst(%dma_wait3A_123 : memref<16x1024xf32, #tpu.memory_space<vmem>>)
    %dma_start3A_126 = arith.constant 2 : i32
    %dma_start3A_127 = arith.constant 2 : i32
    %dma_start3A_128 = arith.constant 0 : i32
    %dma_start3A_129 = arith.constant 0 : i32
    %dma_start3A_130 = tpu.memref_slice %arg6[%dma_start3A_126, %dma_start3A_128, %dma_start3A_129] : memref<4x16x1024xf32, #tpu.memory_space<vmem>> -> memref<1x16x1024xf32, #tpu.memory_space<vmem>>
    %dma_start3A_131 = tpu.memref_squeeze %dma_start3A_130 : memref<1x16x1024xf32, #tpu.memory_space<vmem>> -> memref<16x1024xf32, #tpu.memory_space<vmem>>
    %dma_start3A_132 = arith.constant 0 : i32
    %dma_start3A_133 = tpu.memref_slice %arg5[%dma_start3A_127, %dma_start3A_132] : memref<4x16xi32, #tpu.memory_space<vmem>> -> memref<1x16xi32, #tpu.memory_space<vmem>>
    %dma_start3A_134 = tpu.memref_squeeze %dma_start3A_133 : memref<1x16xi32, #tpu.memory_space<vmem>> -> memref<16xi32, #tpu.memory_space<vmem>>
    %dma_start3A_135 = arith.constant 0 : i32
    %dma_start3A_136 = arith.constant 0 : i32
    %dma_start3A_137 = tpu.memref_slice %arg4[%dma_start3A_135, %dma_start3A_136] : memref<4096x1024xf32, #tpu.memory_space<hbm>> -> memref<4096x1024xf32, #tpu.memory_space<hbm>>
    tpu.enqueue_indirect_dma source(%dma_start3A_131 : memref<16x1024xf32, #tpu.memory_space<vmem>>) target(%dma_start3A_137 : memref<4096x1024xf32, #tpu.memory_space<hbm>>) offsets(%dma_start3A_134 : memref<16xi32, #tpu.memory_space<vmem>>) semaphore(%arg13 : memref<!tpu.dma_semaphore, #tpu.memory_space<semaphore_mem>>)
    %dma_wait3A_138 = arith.constant 3 : i32
    %dma_wait3A_139 = arith.constant 0 : i32
    %dma_wait3A_140 = arith.constant 0 : i32
    %dma_wait3A_141 = tpu.memref_slice %arg6[%dma_wait3A_138, %dma_wait3A_139, %dma_wait3A_140] : memref<4x16x1024xf32, #tpu.memory_space<vmem>> -> memref<1x16x1024xf32, #tpu.memory_space<vmem>>
    %dma_wait3A_142 = tpu.memref_squeeze %dma_wait3A_141 : memref<1x16x1024xf32, #tpu.memory_space<vmem>> -> memref<16x1024xf32, #tpu.memory_space<vmem>>
    %dma_wait3A_143 = arith.constant 0 : i32
    %dma_wait3A_144 = tpu.memref_slice %arg2[%add3A_50, %dma_wait3A_143] : memref<2048x1024xf32, #tpu.memory_space<hbm>> -> memref<16x1024xf32, #tpu.memory_space<hbm>>
    %dma_wait3A_145 = arith.constant 0 : i32
    %dma_wait3A_146 = arith.constant 0 : i32
    %dma_wait3A_147 = tpu.memref_slice %arg6[%dma_wait3A_138, %dma_wait3A_145, %dma_wait3A_146] : memref<4x16x1024xf32, #tpu.memory_space<vmem>> -> memref<1x16x1024xf32, #tpu.memory_space<vmem>>
    %dma_wait3A_148 = tpu.memref_squeeze %dma_wait3A_147 : memref<1x16x1024xf32, #tpu.memory_space<vmem>> -> memref<16x1024xf32, #tpu.memory_space<vmem>>
    %dma_wait3A_149 = arith.constant 0 : i32
    %dma_wait3A_150 = tpu.memref_slice %arg2[%add3A_50, %dma_wait3A_149] : memref<2048x1024xf32, #tpu.memory_space<hbm>> -> memref<16x1024xf32, #tpu.memory_space<hbm>>
    tpu.wait_dma2 semaphore(%arg10 : memref<!tpu.dma_semaphore, #tpu.memory_space<semaphore_mem>>) src(%dma_wait3A_150 : memref<16x1024xf32, #tpu.memory_space<hbm>>) dst(%dma_wait3A_148 : memref<16x1024xf32, #tpu.memory_space<vmem>>)
    %dma_start3A_151 = arith.constant 3 : i32
    %dma_start3A_152 = arith.constant 3 : i32
    %dma_start3A_153 = arith.constant 0 : i32
    %dma_start3A_154 = arith.constant 0 : i32
    %dma_start3A_155 = tpu.memref_slice %arg6[%dma_start3A_151, %dma_start3A_153, %dma_start3A_154] : memref<4x16x1024xf32, #tpu.memory_space<vmem>> -> memref<1x16x1024xf32, #tpu.memory_space<vmem>>
    %dma_start3A_156 = tpu.memref_squeeze %dma_start3A_155 : memref<1x16x1024xf32, #tpu.memory_space<vmem>> -> memref<16x1024xf32, #tpu.memory_space<vmem>>
    %dma_start3A_157 = arith.constant 0 : i32
    %dma_start3A_158 = tpu.memref_slice %arg5[%dma_start3A_152, %dma_start3A_157] : memref<4x16xi32, #tpu.memory_space<vmem>> -> memref<1x16xi32, #tpu.memory_space<vmem>>
    %dma_start3A_159 = tpu.memref_squeeze %dma_start3A_158 : memref<1x16xi32, #tpu.memory_space<vmem>> -> memref<16xi32, #tpu.memory_space<vmem>>
    %dma_start3A_160 = arith.constant 0 : i32
    %dma_start3A_161 = arith.constant 0 : i32
    %dma_start3A_162 = tpu.memref_slice %arg4[%dma_start3A_160, %dma_start3A_161] : memref<4096x1024xf32, #tpu.memory_space<hbm>> -> memref<4096x1024xf32, #tpu.memory_space<hbm>>
    tpu.enqueue_indirect_dma source(%dma_start3A_156 : memref<16x1024xf32, #tpu.memory_space<vmem>>) target(%dma_start3A_162 : memref<4096x1024xf32, #tpu.memory_space<hbm>>) offsets(%dma_start3A_159 : memref<16xi32, #tpu.memory_space<vmem>>) semaphore(%arg14 : memref<!tpu.dma_semaphore, #tpu.memory_space<semaphore_mem>>)
    %dma_wait3A_163 = arith.constant 0 : i32
    %dma_wait3A_164 = arith.constant 0 : i32
    %dma_wait3A_165 = arith.constant 0 : i32
    %dma_wait3A_166 = arith.constant 0 : i32
    %dma_wait3A_167 = tpu.memref_slice %arg6[%dma_wait3A_163, %dma_wait3A_165, %dma_wait3A_166] : memref<4x16x1024xf32, #tpu.memory_space<vmem>> -> memref<1x16x1024xf32, #tpu.memory_space<vmem>>
    %dma_wait3A_168 = tpu.memref_squeeze %dma_wait3A_167 : memref<1x16x1024xf32, #tpu.memory_space<vmem>> -> memref<16x1024xf32, #tpu.memory_space<vmem>>
    %dma_wait3A_169 = arith.constant 0 : i32
    %dma_wait3A_170 = tpu.memref_slice %arg5[%dma_wait3A_164, %dma_wait3A_169] : memref<4x16xi32, #tpu.memory_space<vmem>> -> memref<1x16xi32, #tpu.memory_space<vmem>>
    %dma_wait3A_171 = tpu.memref_squeeze %dma_wait3A_170 : memref<1x16xi32, #tpu.memory_space<vmem>> -> memref<16xi32, #tpu.memory_space<vmem>>
    %dma_wait3A_172 = arith.constant 0 : i32
    %dma_wait3A_173 = arith.constant 0 : i32
    %dma_wait3A_174 = tpu.memref_slice %arg4[%dma_wait3A_172, %dma_wait3A_173] : memref<4096x1024xf32, #tpu.memory_space<hbm>> -> memref<4096x1024xf32, #tpu.memory_space<hbm>>
    tpu.wait_indirect_dma semaphore(%arg11 : memref<!tpu.dma_semaphore, #tpu.memory_space<semaphore_mem>>) src(%dma_wait3A_168 : memref<16x1024xf32, #tpu.memory_space<vmem>>) dst(%dma_wait3A_174 : memref<4096x1024xf32, #tpu.memory_space<hbm>>)
    %dma_wait3A_175 = arith.constant 1 : i32
    %dma_wait3A_176 = arith.constant 1 : i32
    %dma_wait3A_177 = arith.constant 0 : i32
    %dma_wait3A_178 = arith.constant 0 : i32
    %dma_wait3A_179 = tpu.memref_slice %arg6[%dma_wait3A_175, %dma_wait3A_177, %dma_wait3A_178] : memref<4x16x1024xf32, #tpu.memory_space<vmem>> -> memref<1x16x1024xf32, #tpu.memory_space<vmem>>
    %dma_wait3A_180 = tpu.memref_squeeze %dma_wait3A_179 : memref<1x16x1024xf32, #tpu.memory_space<vmem>> -> memref<16x1024xf32, #tpu.memory_space<vmem>>
    %dma_wait3A_181 = arith.constant 0 : i32
    %dma_wait3A_182 = tpu.memref_slice %arg5[%dma_wait3A_176, %dma_wait3A_181] : memref<4x16xi32, #tpu.memory_space<vmem>> -> memref<1x16xi32, #tpu.memory_space<vmem>>
    %dma_wait3A_183 = tpu.memref_squeeze %dma_wait3A_182 : memref<1x16xi32, #tpu.memory_space<vmem>> -> memref<16xi32, #tpu.memory_space<vmem>>
    %dma_wait3A_184 = arith.constant 0 : i32
    %dma_wait3A_185 = arith.constant 0 : i32
    %dma_wait3A_186 = tpu.memref_slice %arg4[%dma_wait3A_184, %dma_wait3A_185] : memref<4096x1024xf32, #tpu.memory_space<hbm>> -> memref<4096x1024xf32, #tpu.memory_space<hbm>>
    tpu.wait_indirect_dma semaphore(%arg12 : memref<!tpu.dma_semaphore, #tpu.memory_space<semaphore_mem>>) src(%dma_wait3A_180 : memref<16x1024xf32, #tpu.memory_space<vmem>>) dst(%dma_wait3A_186 : memref<4096x1024xf32, #tpu.memory_space<hbm>>)
    %dma_wait3A_187 = arith.constant 2 : i32
    %dma_wait3A_188 = arith.constant 2 : i32
    %dma_wait3A_189 = arith.constant 0 : i32
    %dma_wait3A_190 = arith.constant 0 : i32
    %dma_wait3A_191 = tpu.memref_slice %arg6[%dma_wait3A_187, %dma_wait3A_189, %dma_wait3A_190] : memref<4x16x1024xf32, #tpu.memory_space<vmem>> -> memref<1x16x1024xf32, #tpu.memory_space<vmem>>
    %dma_wait3A_192 = tpu.memref_squeeze %dma_wait3A_191 : memref<1x16x1024xf32, #tpu.memory_space<vmem>> -> memref<16x1024xf32, #tpu.memory_space<vmem>>
    %dma_wait3A_193 = arith.constant 0 : i32
    %dma_wait3A_194 = tpu.memref_slice %arg5[%dma_wait3A_188, %dma_wait3A_193] : memref<4x16xi32, #tpu.memory_space<vmem>> -> memref<1x16xi32, #tpu.memory_space<vmem>>
    %dma_wait3A_195 = tpu.memref_squeeze %dma_wait3A_194 : memref<1x16xi32, #tpu.memory_space<vmem>> -> memref<16xi32, #tpu.memory_space<vmem>>
    %dma_wait3A_196 = arith.constant 0 : i32
    %dma_wait3A_197 = arith.constant 0 : i32
    %dma_wait3A_198 = tpu.memref_slice %arg4[%dma_wait3A_196, %dma_wait3A_197] : memref<4096x1024xf32, #tpu.memory_space<hbm>> -> memref<4096x1024xf32, #tpu.memory_space<hbm>>
    tpu.wait_indirect_dma semaphore(%arg13 : memref<!tpu.dma_semaphore, #tpu.memory_space<semaphore_mem>>) src(%dma_wait3A_192 : memref<16x1024xf32, #tpu.memory_space<vmem>>) dst(%dma_wait3A_198 : memref<4096x1024xf32, #tpu.memory_space<hbm>>)
    %dma_wait3A_199 = arith.constant 3 : i32
    %dma_wait3A_200 = arith.constant 3 : i32
    %dma_wait3A_201 = arith.constant 0 : i32
    %dma_wait3A_202 = arith.constant 0 : i32
    %dma_wait3A_203 = tpu.memref_slice %arg6[%dma_wait3A_199, %dma_wait3A_201, %dma_wait3A_202] : memref<4x16x1024xf32, #tpu.memory_space<vmem>> -> memref<1x16x1024xf32, #tpu.memory_space<vmem>>
    %dma_wait3A_204 = tpu.memref_squeeze %dma_wait3A_203 : memref<1x16x1024xf32, #tpu.memory_space<vmem>> -> memref<16x1024xf32, #tpu.memory_space<vmem>>
    %dma_wait3A_205 = arith.constant 0 : i32
    %dma_wait3A_206 = tpu.memref_slice %arg5[%dma_wait3A_200, %dma_wait3A_205] : memref<4x16xi32, #tpu.memory_space<vmem>> -> memref<1x16xi32, #tpu.memory_space<vmem>>
    %dma_wait3A_207 = tpu.memref_squeeze %dma_wait3A_206 : memref<1x16xi32, #tpu.memory_space<vmem>> -> memref<16xi32, #tpu.memory_space<vmem>>
    %dma_wait3A_208 = arith.constant 0 : i32
    %dma_wait3A_209 = arith.constant 0 : i32
    %dma_wait3A_210 = tpu.memref_slice %arg4[%dma_wait3A_208, %dma_wait3A_209] : memref<4096x1024xf32, #tpu.memory_space<hbm>> -> memref<4096x1024xf32, #tpu.memory_space<hbm>>
    tpu.wait_indirect_dma semaphore(%arg14 : memref<!tpu.dma_semaphore, #tpu.memory_space<semaphore_mem>>) src(%dma_wait3A_204 : memref<16x1024xf32, #tpu.memory_space<vmem>>) dst(%dma_wait3A_210 : memref<4096x1024xf32, #tpu.memory_space<hbm>>)
    return
  }
}

module attributes {stable_mosaic.version = 14 : i64} {
  func.func @_mm_body(%arg0: i32, %arg1: memref<16x1xi32, #tpu.memory_space<smem>>, %arg2: memref<16x1xi32, #tpu.memory_space<smem>>, %arg3: memref<256x1024xf32, #tpu.memory_space<vmem>>, %arg4: memref<1x1024x1024xf32, #tpu.memory_space<vmem>>, %arg5: memref<1x1x1024xf32, #tpu.memory_space<vmem>>, %arg6: memref<8x32xf32, #tpu.memory_space<vmem>>, %arg7: memref<256x1024xf32, #tpu.memory_space<vmem>>) attributes {dimension_semantics = [#tpu.dimension_semantics<arbitrary>], iteration_bounds = array<i64: 16>, scalar_prefetch = 2 : i64, scratch_operands = 0 : i64, tpu.core_type = #tpu.core_type<tc>, window_params = [{transform_indices = @transform_0, window_bounds = array<i64: 256, 1024>}, {transform_indices = @transform_1, window_bounds = array<i64: 1, 1024, 1024>}, {transform_indices = @transform_2, window_bounds = array<i64: 1, 1, 1024>}, {pipeline_mode = #tpu.pipeline_mode<synchronous>, transform_indices = @transform_3, window_bounds = array<i64: 8, 32>}, {transform_indices = @transform_4, window_bounds = array<i64: 256, 1024>}]} {
    %get3A = arith.index_cast %arg0 : i32 to index
    %get3A_0 = arith.constant 0 : index
    %get3A_1 = memref.load %arg2[%get3A, %get3A_0] : memref<16x1xi32, #tpu.memory_space<smem>>
    %ne3A = arith.constant 0 : i32
    %ne3A_2 = arith.cmpi ne, %get3A_1, %ne3A : i32
    %convert_element_type3A = arith.extui %ne3A_2 : i1 to i32
    %cond3A = arith.constant 0 : i32
    %cond3A_3 = arith.cmpi ne, %convert_element_type3A, %cond3A : i32
    scf.if %cond3A_3 {
      %get3A_4 = arith.constant 0 : index
      %get3A_5 = arith.constant 0 : index
      %get3A_6 = vector.load %arg3[%get3A_4, %get3A_5] : memref<256x1024xf32, #tpu.memory_space<vmem>>, vector<256x1024xf32>
      %slice3A = vector.extract_strided_slice %get3A_6 {offsets = [0, 0], sizes = [256, 32], strides = [1, 1]} : vector<256x1024xf32> to vector<256x32xf32>
      %slice3A_7 = vector.extract_strided_slice %get3A_6 {offsets = [0, 32], sizes = [256, 32], strides = [1, 1]} : vector<256x1024xf32> to vector<256x32xf32>
      %add3A = arith.addf %slice3A, %slice3A_7 : vector<256x32xf32>
      %slice3A_8 = vector.extract_strided_slice %get3A_6 {offsets = [0, 64], sizes = [256, 32], strides = [1, 1]} : vector<256x1024xf32> to vector<256x32xf32>
      %add3A_9 = arith.addf %add3A, %slice3A_8 : vector<256x32xf32>
      %slice3A_10 = vector.extract_strided_slice %get3A_6 {offsets = [0, 96], sizes = [256, 32], strides = [1, 1]} : vector<256x1024xf32> to vector<256x32xf32>
      %add3A_11 = arith.addf %add3A_9, %slice3A_10 : vector<256x32xf32>
      %slice3A_12 = vector.extract_strided_slice %get3A_6 {offsets = [0, 128], sizes = [256, 32], strides = [1, 1]} : vector<256x1024xf32> to vector<256x32xf32>
      %add3A_13 = arith.addf %add3A_11, %slice3A_12 : vector<256x32xf32>
      %slice3A_14 = vector.extract_strided_slice %get3A_6 {offsets = [0, 160], sizes = [256, 32], strides = [1, 1]} : vector<256x1024xf32> to vector<256x32xf32>
      %add3A_15 = arith.addf %add3A_13, %slice3A_14 : vector<256x32xf32>
      %slice3A_16 = vector.extract_strided_slice %get3A_6 {offsets = [0, 192], sizes = [256, 32], strides = [1, 1]} : vector<256x1024xf32> to vector<256x32xf32>
      %add3A_17 = arith.addf %add3A_15, %slice3A_16 : vector<256x32xf32>
      %slice3A_18 = vector.extract_strided_slice %get3A_6 {offsets = [0, 224], sizes = [256, 32], strides = [1, 1]} : vector<256x1024xf32> to vector<256x32xf32>
      %add3A_19 = arith.addf %add3A_17, %slice3A_18 : vector<256x32xf32>
      %slice3A_20 = vector.extract_strided_slice %get3A_6 {offsets = [0, 256], sizes = [256, 32], strides = [1, 1]} : vector<256x1024xf32> to vector<256x32xf32>
      %add3A_21 = arith.addf %add3A_19, %slice3A_20 : vector<256x32xf32>
      %slice3A_22 = vector.extract_strided_slice %get3A_6 {offsets = [0, 288], sizes = [256, 32], strides = [1, 1]} : vector<256x1024xf32> to vector<256x32xf32>
      %add3A_23 = arith.addf %add3A_21, %slice3A_22 : vector<256x32xf32>
      %slice3A_24 = vector.extract_strided_slice %get3A_6 {offsets = [0, 320], sizes = [256, 32], strides = [1, 1]} : vector<256x1024xf32> to vector<256x32xf32>
      %add3A_25 = arith.addf %add3A_23, %slice3A_24 : vector<256x32xf32>
      %slice3A_26 = vector.extract_strided_slice %get3A_6 {offsets = [0, 352], sizes = [256, 32], strides = [1, 1]} : vector<256x1024xf32> to vector<256x32xf32>
      %add3A_27 = arith.addf %add3A_25, %slice3A_26 : vector<256x32xf32>
      %slice3A_28 = vector.extract_strided_slice %get3A_6 {offsets = [0, 384], sizes = [256, 32], strides = [1, 1]} : vector<256x1024xf32> to vector<256x32xf32>
      %add3A_29 = arith.addf %add3A_27, %slice3A_28 : vector<256x32xf32>
      %slice3A_30 = vector.extract_strided_slice %get3A_6 {offsets = [0, 416], sizes = [256, 32], strides = [1, 1]} : vector<256x1024xf32> to vector<256x32xf32>
      %add3A_31 = arith.addf %add3A_29, %slice3A_30 : vector<256x32xf32>
      %slice3A_32 = vector.extract_strided_slice %get3A_6 {offsets = [0, 448], sizes = [256, 32], strides = [1, 1]} : vector<256x1024xf32> to vector<256x32xf32>
      %add3A_33 = arith.addf %add3A_31, %slice3A_32 : vector<256x32xf32>
      %slice3A_34 = vector.extract_strided_slice %get3A_6 {offsets = [0, 480], sizes = [256, 32], strides = [1, 1]} : vector<256x1024xf32> to vector<256x32xf32>
      %add3A_35 = arith.addf %add3A_33, %slice3A_34 : vector<256x32xf32>
      %slice3A_36 = vector.extract_strided_slice %get3A_6 {offsets = [0, 512], sizes = [256, 32], strides = [1, 1]} : vector<256x1024xf32> to vector<256x32xf32>
      %add3A_37 = arith.addf %add3A_35, %slice3A_36 : vector<256x32xf32>
      %slice3A_38 = vector.extract_strided_slice %get3A_6 {offsets = [0, 544], sizes = [256, 32], strides = [1, 1]} : vector<256x1024xf32> to vector<256x32xf32>
      %add3A_39 = arith.addf %add3A_37, %slice3A_38 : vector<256x32xf32>
      %slice3A_40 = vector.extract_strided_slice %get3A_6 {offsets = [0, 576], sizes = [256, 32], strides = [1, 1]} : vector<256x1024xf32> to vector<256x32xf32>
      %add3A_41 = arith.addf %add3A_39, %slice3A_40 : vector<256x32xf32>
      %slice3A_42 = vector.extract_strided_slice %get3A_6 {offsets = [0, 608], sizes = [256, 32], strides = [1, 1]} : vector<256x1024xf32> to vector<256x32xf32>
      %add3A_43 = arith.addf %add3A_41, %slice3A_42 : vector<256x32xf32>
      %slice3A_44 = vector.extract_strided_slice %get3A_6 {offsets = [0, 640], sizes = [256, 32], strides = [1, 1]} : vector<256x1024xf32> to vector<256x32xf32>
      %add3A_45 = arith.addf %add3A_43, %slice3A_44 : vector<256x32xf32>
      %slice3A_46 = vector.extract_strided_slice %get3A_6 {offsets = [0, 672], sizes = [256, 32], strides = [1, 1]} : vector<256x1024xf32> to vector<256x32xf32>
      %add3A_47 = arith.addf %add3A_45, %slice3A_46 : vector<256x32xf32>
      %slice3A_48 = vector.extract_strided_slice %get3A_6 {offsets = [0, 704], sizes = [256, 32], strides = [1, 1]} : vector<256x1024xf32> to vector<256x32xf32>
      %add3A_49 = arith.addf %add3A_47, %slice3A_48 : vector<256x32xf32>
      %slice3A_50 = vector.extract_strided_slice %get3A_6 {offsets = [0, 736], sizes = [256, 32], strides = [1, 1]} : vector<256x1024xf32> to vector<256x32xf32>
      %add3A_51 = arith.addf %add3A_49, %slice3A_50 : vector<256x32xf32>
      %slice3A_52 = vector.extract_strided_slice %get3A_6 {offsets = [0, 768], sizes = [256, 32], strides = [1, 1]} : vector<256x1024xf32> to vector<256x32xf32>
      %add3A_53 = arith.addf %add3A_51, %slice3A_52 : vector<256x32xf32>
      %slice3A_54 = vector.extract_strided_slice %get3A_6 {offsets = [0, 800], sizes = [256, 32], strides = [1, 1]} : vector<256x1024xf32> to vector<256x32xf32>
      %add3A_55 = arith.addf %add3A_53, %slice3A_54 : vector<256x32xf32>
      %slice3A_56 = vector.extract_strided_slice %get3A_6 {offsets = [0, 832], sizes = [256, 32], strides = [1, 1]} : vector<256x1024xf32> to vector<256x32xf32>
      %add3A_57 = arith.addf %add3A_55, %slice3A_56 : vector<256x32xf32>
      %slice3A_58 = vector.extract_strided_slice %get3A_6 {offsets = [0, 864], sizes = [256, 32], strides = [1, 1]} : vector<256x1024xf32> to vector<256x32xf32>
      %add3A_59 = arith.addf %add3A_57, %slice3A_58 : vector<256x32xf32>
      %slice3A_60 = vector.extract_strided_slice %get3A_6 {offsets = [0, 896], sizes = [256, 32], strides = [1, 1]} : vector<256x1024xf32> to vector<256x32xf32>
      %add3A_61 = arith.addf %add3A_59, %slice3A_60 : vector<256x32xf32>
      %slice3A_62 = vector.extract_strided_slice %get3A_6 {offsets = [0, 928], sizes = [256, 32], strides = [1, 1]} : vector<256x1024xf32> to vector<256x32xf32>
      %add3A_63 = arith.addf %add3A_61, %slice3A_62 : vector<256x32xf32>
      %slice3A_64 = vector.extract_strided_slice %get3A_6 {offsets = [0, 960], sizes = [256, 32], strides = [1, 1]} : vector<256x1024xf32> to vector<256x32xf32>
      %add3A_65 = arith.addf %add3A_63, %slice3A_64 : vector<256x32xf32>
      %slice3A_66 = vector.extract_strided_slice %get3A_6 {offsets = [0, 992], sizes = [256, 32], strides = [1, 1]} : vector<256x1024xf32> to vector<256x32xf32>
      %add3A_67 = arith.addf %add3A_65, %slice3A_66 : vector<256x32xf32>
      %get3A_68 = arith.constant 0 : index
      %get3A_69 = arith.constant 0 : index
      %get3A_70 = vector.load %arg6[%get3A_68, %get3A_69] : memref<8x32xf32, #tpu.memory_space<vmem>>, vector<8x32xf32>
      %dot_general3A = arith.constant dense<0.000000e+00> : vector<256x8xf32>
      %dot_general3A_71 = tpu.matmul %add3A_67, %get3A_70, %dot_general3A {dimension_numbers = #tpu.dot_dimension_numbers<[1], [1], [0], [0], [0, 0, 1, 0], [], []>, transpose_lhs_hint = false} : vector<256x32xf32>, vector<8x32xf32>, vector<256x8xf32> -> vector<256x8xf32>
      %reduce_max3A = arith.constant dense<0xFF800000> : vector<256xf32>
      %reduce_max3A_72 = vector.multi_reduction <maximumf>, %dot_general3A_71, %reduce_max3A [1] : vector<256x8xf32> to vector<256xf32>
      %broadcast_in_dim3A = vector.shape_cast %reduce_max3A_72 : vector<256xf32> to vector<256x1xf32>
      %sub3A = vector.broadcast %broadcast_in_dim3A : vector<256x1xf32> to vector<256x8xf32>
      %sub3A_73 = arith.subf %dot_general3A_71, %sub3A : vector<256x8xf32>
      %exp3A = math.exp %sub3A_73 : vector<256x8xf32>
      %reduce_sum3A = arith.constant dense<0.000000e+00> : vector<256xf32>
      %reduce_sum3A_74 = vector.multi_reduction <add>, %exp3A, %reduce_sum3A [1] : vector<256x8xf32> to vector<256xf32>
      %broadcast_in_dim3A_75 = vector.shape_cast %reduce_sum3A_74 : vector<256xf32> to vector<256x1xf32>
      %div3A = arith.constant 1.000000e+00 : f32
      %div3A_76 = vector.broadcast %div3A : f32 to vector<256x1xf32>
      %div3A_77 = arith.divf %div3A_76, %broadcast_in_dim3A_75 : vector<256x1xf32>
      %get3A_78 = arith.constant 0 : index
      %get3A_79 = arith.constant 0 : index
      %get3A_80 = arith.constant 0 : index
      %get3A_81 = vector.load %arg4[%get3A_78, %get3A_79, %get3A_80] : memref<1x1024x1024xf32, #tpu.memory_space<vmem>>, vector<1x1024x1024xf32>
      %get3A_82 = vector.shape_cast %get3A_81 : vector<1x1024x1024xf32> to vector<1024x1024xf32>
      %dot_general3A_83 = arith.constant dense<0.000000e+00> : vector<256x1024xf32>
      %dot_general3A_84 = tpu.matmul %get3A_6, %get3A_82, %dot_general3A_83 {dimension_numbers = #tpu.dot_dimension_numbers<[1], [1], [0], [0], [0, 0, 1, 0], [], []>, transpose_lhs_hint = false} : vector<256x1024xf32>, vector<1024x1024xf32>, vector<256x1024xf32> -> vector<256x1024xf32>
      %get3A_85 = arith.constant 0 : index
      %get3A_86 = arith.constant 0 : index
      %get3A_87 = arith.constant 0 : index
      %get3A_88 = vector.load %arg5[%get3A_85, %get3A_86, %get3A_87] : memref<1x1x1024xf32, #tpu.memory_space<vmem>>, vector<1x1x1024xf32>
      %get3A_89 = vector.shape_cast %get3A_88 : vector<1x1x1024xf32> to vector<1x1024xf32>
      %add3A_90 = vector.broadcast %get3A_89 : vector<1x1024xf32> to vector<256x1024xf32>
      %add3A_91 = arith.addf %dot_general3A_84, %add3A_90 : vector<256x1024xf32>
      %mul3A = arith.mulf %add3A_91, %add3A_91 : vector<256x1024xf32>
      %mul3A_92 = arith.mulf %mul3A, %add3A_91 : vector<256x1024xf32>
      %mul3A_93 = vector.broadcast %div3A_77 : vector<256x1xf32> to vector<256x1024xf32>
      %mul3A_94 = arith.mulf %mul3A_92, %mul3A_93 : vector<256x1024xf32>
      %reduce_max3A_95 = arith.constant dense<0xFF800000> : vector<256xf32>
      %reduce_max3A_96 = vector.multi_reduction <maximumf>, %mul3A_94, %reduce_max3A_95 [1] : vector<256x1024xf32> to vector<256xf32>
      %broadcast_in_dim3A_97 = vector.shape_cast %reduce_max3A_96 : vector<256xf32> to vector<256x1xf32>
      %sub3A_98 = vector.broadcast %broadcast_in_dim3A_97 : vector<256x1xf32> to vector<256x1024xf32>
      %sub3A_99 = arith.subf %mul3A_94, %sub3A_98 : vector<256x1024xf32>
      %exp3A_100 = math.exp %sub3A_99 : vector<256x1024xf32>
      %reduce_sum3A_101 = arith.constant dense<0.000000e+00> : vector<256xf32>
      %reduce_sum3A_102 = vector.multi_reduction <add>, %exp3A_100, %reduce_sum3A_101 [1] : vector<256x1024xf32> to vector<256xf32>
      %broadcast_in_dim3A_103 = vector.shape_cast %reduce_sum3A_102 : vector<256xf32> to vector<256x1xf32>
      %div3A_104 = vector.broadcast %broadcast_in_dim3A_103 : vector<256x1xf32> to vector<256x1024xf32>
      %div3A_105 = arith.divf %exp3A_100, %div3A_104 : vector<256x1024xf32>
      %swap3A = arith.constant 0 : index
      %swap3A_106 = arith.constant 0 : index
      %swap3A_107 = vector.load %arg7[%swap3A, %swap3A_106] : memref<256x1024xf32, #tpu.memory_space<vmem>>, vector<256x1024xf32>
      tpu.vector_store %arg7[%swap3A, %swap3A_106], %div3A_105 {strides = array<i32>} : memref<256x1024xf32, #tpu.memory_space<vmem>>, vector<256x1024xf32>,
    } else {
    }
    return
  }
  func.func @transform_0(%arg0: i32, %arg1: memref<16x1xi32, #tpu.memory_space<smem>>, %arg2: memref<16x1xi32, #tpu.memory_space<smem>>) -> (i32, i32) {
    %get3A = arith.index_cast %arg0 : i32 to index
    %get3A_0 = arith.constant 0 : index
    %get3A_1 = memref.load %arg2[%get3A, %get3A_0] : memref<16x1xi32, #tpu.memory_space<smem>>
    %ne3A = arith.constant 0 : i32
    %ne3A_2 = arith.cmpi ne, %get3A_1, %ne3A : i32
    %jit3A = arith.constant 0 : i32
    %select_n3A = arith.select %ne3A_2, %arg0, %jit3A : i32
    %c0_i32 = arith.constant 0 : i32
    %c0_i32_3 = arith.constant 0 : i32
    return %select_n3A, %c0_i32 : i32, i32
  }
  func.func @transform_1(%arg0: i32, %arg1: memref<16x1xi32, #tpu.memory_space<smem>>, %arg2: memref<16x1xi32, #tpu.memory_space<smem>>) -> (i32, i32, i32) {
    %get3A = arith.index_cast %arg0 : i32 to index
    %get3A_0 = arith.constant 0 : index
    %get3A_1 = memref.load %arg1[%get3A, %get3A_0] : memref<16x1xi32, #tpu.memory_space<smem>>
    %c0_i32 = arith.constant 0 : i32
    %c0_i32_2 = arith.constant 0 : i32
    %c0_i32_3 = arith.constant 0 : i32
    return %get3A_1, %c0_i32, %c0_i32_2 : i32, i32, i32
  }
  func.func @transform_2(%arg0: i32, %arg1: memref<16x1xi32, #tpu.memory_space<smem>>, %arg2: memref<16x1xi32, #tpu.memory_space<smem>>) -> (i32, i32, i32) {
    %get3A = arith.index_cast %arg0 : i32 to index
    %get3A_0 = arith.constant 0 : index
    %get3A_1 = memref.load %arg1[%get3A, %get3A_0] : memref<16x1xi32, #tpu.memory_space<smem>>
    %c0_i32 = arith.constant 0 : i32
    %c0_i32_2 = arith.constant 0 : i32
    %c0_i32_3 = arith.constant 0 : i32
    return %get3A_1, %c0_i32, %c0_i32_2 : i32, i32, i32
  }
  func.func @transform_3(%arg0: i32, %arg1: memref<16x1xi32, #tpu.memory_space<smem>>, %arg2: memref<16x1xi32, #tpu.memory_space<smem>>) -> (i32, i32) {
    %c0_i32 = arith.constant 0 : i32
    %c0_i32_0 = arith.constant 0 : i32
    %c0_i32_1 = arith.constant 0 : i32
    return %c0_i32, %c0_i32_0 : i32, i32
  }
  func.func @transform_4(%arg0: i32, %arg1: memref<16x1xi32, #tpu.memory_space<smem>>, %arg2: memref<16x1xi32, #tpu.memory_space<smem>>) -> (i32, i32) {
    %c0_i32 = arith.constant 0 : i32
    %c0_i32_0 = arith.constant 0 : i32
    return %arg0, %c0_i32 : i32, i32
  }
}

module attributes {stable_mosaic.version = 14 : i64} {
  func.func @_router_body(%arg0: i32, %arg1: memref<512x1024xf32, #tpu.memory_space<vmem>>, %arg2: memref<8x32xf32, #tpu.memory_space<vmem>>, %arg3: memref<512x8xf32, #tpu.memory_space<vmem>>, %arg4: memref<128x16xi32, #tpu.memory_space<vmem>>, %arg5: memref<16x1xi32, #tpu.memory_space<vmem>>, %arg6: memref<16x1xi32, #tpu.memory_space<vmem>>, %arg7: memref<1x1xf32, #tpu.memory_space<vmem>>, %arg8: memref<1x8xf32, #tpu.memory_space<vmem>>, %arg9: memref<1x8xf32, #tpu.memory_space<vmem>>, %arg10: memref<2048x8xf32, #tpu.memory_space<vmem>>, %arg11: memref<2048x1xf32, #tpu.memory_space<vmem>>) attributes {dimension_semantics = [#tpu.dimension_semantics<arbitrary>], iteration_bounds = array<i64: 5>, scalar_prefetch = 0 : i64, scratch_operands = 4 : i64, tpu.core_type = #tpu.core_type<tc>, window_params = [{transform_indices = @transform_0, window_bounds = array<i64: 512, 1024>}, {pipeline_mode = #tpu.pipeline_mode<synchronous>, transform_indices = @transform_1, window_bounds = array<i64: 8, 32>}, {transform_indices = @transform_2, window_bounds = array<i64: 512, 8>}, {pipeline_mode = #tpu.pipeline_mode<synchronous>, transform_indices = @transform_3, window_bounds = array<i64: 128, 16>}, {pipeline_mode = #tpu.pipeline_mode<synchronous>, transform_indices = @transform_4, window_bounds = array<i64: 16, 1>}, {pipeline_mode = #tpu.pipeline_mode<synchronous>, transform_indices = @transform_5, window_bounds = array<i64: 16, 1>}, {pipeline_mode = #tpu.pipeline_mode<synchronous>, transform_indices = @transform_6, window_bounds = array<i64: 1, 1>}]} {
    %eq3A = arith.constant 0 : i32
    %eq3A_0 = arith.cmpi eq, %arg0, %eq3A : i32
    %convert_element_type3A = arith.extui %eq3A_0 : i1 to i32
    %cond3A = arith.constant 0 : i32
    %cond3A_1 = arith.cmpi ne, %convert_element_type3A, %cond3A : i32
    scf.if %cond3A_1 {
      %broadcast_in_dim3A = arith.constant 0.000000e+00 : f32
      %broadcast_in_dim3A_11 = vector.broadcast %broadcast_in_dim3A : f32 to vector<1x8xf32>
      %swap3A = arith.constant 0 : index
      %swap3A_12 = arith.constant 0 : index
      %swap3A_13 = vector.load %arg8[%swap3A, %swap3A_12] : memref<1x8xf32, #tpu.memory_space<vmem>>, vector<1x8xf32>
      tpu.vector_store %arg8[%swap3A, %swap3A_12], %broadcast_in_dim3A_11 {strides = array<i32>} : memref<1x8xf32, #tpu.memory_space<vmem>>, vector<1x8xf32>,
      %broadcast_in_dim3A_14 = arith.constant 0.000000e+00 : f32
      %broadcast_in_dim3A_15 = vector.broadcast %broadcast_in_dim3A_14 : f32 to vector<1x8xf32>
      %swap3A_16 = arith.constant 0 : index
      %swap3A_17 = arith.constant 0 : index
      %swap3A_18 = vector.load %arg9[%swap3A_16, %swap3A_17] : memref<1x8xf32, #tpu.memory_space<vmem>>, vector<1x8xf32>
      tpu.vector_store %arg9[%swap3A_16, %swap3A_17], %broadcast_in_dim3A_15 {strides = array<i32>} : memref<1x8xf32, #tpu.memory_space<vmem>>, vector<1x8xf32>,
    } else {
    }
    %lt3A = arith.constant 4 : i32
    %lt3A_2 = arith.cmpi slt, %arg0, %lt3A : i32
    %convert_element_type3A_3 = arith.extui %lt3A_2 : i1 to i32
    %cond3A_4 = arith.constant 0 : i32
    %cond3A_5 = arith.cmpi ne, %convert_element_type3A_3, %cond3A_4 : i32
    scf.if %cond3A_5 {
      %get3A = arith.constant 0 : index
      %get3A_11 = arith.constant 0 : index
      %get3A_12 = vector.load %arg1[%get3A, %get3A_11] : memref<512x1024xf32, #tpu.memory_space<vmem>>, vector<512x1024xf32>
      %slice3A = vector.extract_strided_slice %get3A_12 {offsets = [0, 0], sizes = [512, 32], strides = [1, 1]} : vector<512x1024xf32> to vector<512x32xf32>
      %slice3A_13 = vector.extract_strided_slice %get3A_12 {offsets = [0, 32], sizes = [512, 32], strides = [1, 1]} : vector<512x1024xf32> to vector<512x32xf32>
      %add3A = arith.addf %slice3A, %slice3A_13 : vector<512x32xf32>
      %slice3A_14 = vector.extract_strided_slice %get3A_12 {offsets = [0, 64], sizes = [512, 32], strides = [1, 1]} : vector<512x1024xf32> to vector<512x32xf32>
      %add3A_15 = arith.addf %add3A, %slice3A_14 : vector<512x32xf32>
      %slice3A_16 = vector.extract_strided_slice %get3A_12 {offsets = [0, 96], sizes = [512, 32], strides = [1, 1]} : vector<512x1024xf32> to vector<512x32xf32>
      %add3A_17 = arith.addf %add3A_15, %slice3A_16 : vector<512x32xf32>
      %slice3A_18 = vector.extract_strided_slice %get3A_12 {offsets = [0, 128], sizes = [512, 32], strides = [1, 1]} : vector<512x1024xf32> to vector<512x32xf32>
      %add3A_19 = arith.addf %add3A_17, %slice3A_18 : vector<512x32xf32>
      %slice3A_20 = vector.extract_strided_slice %get3A_12 {offsets = [0, 160], sizes = [512, 32], strides = [1, 1]} : vector<512x1024xf32> to vector<512x32xf32>
      %add3A_21 = arith.addf %add3A_19, %slice3A_20 : vector<512x32xf32>
      %slice3A_22 = vector.extract_strided_slice %get3A_12 {offsets = [0, 192], sizes = [512, 32], strides = [1, 1]} : vector<512x1024xf32> to vector<512x32xf32>
      %add3A_23 = arith.addf %add3A_21, %slice3A_22 : vector<512x32xf32>
      %slice3A_24 = vector.extract_strided_slice %get3A_12 {offsets = [0, 224], sizes = [512, 32], strides = [1, 1]} : vector<512x1024xf32> to vector<512x32xf32>
      %add3A_25 = arith.addf %add3A_23, %slice3A_24 : vector<512x32xf32>
      %slice3A_26 = vector.extract_strided_slice %get3A_12 {offsets = [0, 256], sizes = [512, 32], strides = [1, 1]} : vector<512x1024xf32> to vector<512x32xf32>
      %add3A_27 = arith.addf %add3A_25, %slice3A_26 : vector<512x32xf32>
      %slice3A_28 = vector.extract_strided_slice %get3A_12 {offsets = [0, 288], sizes = [512, 32], strides = [1, 1]} : vector<512x1024xf32> to vector<512x32xf32>
      %add3A_29 = arith.addf %add3A_27, %slice3A_28 : vector<512x32xf32>
      %slice3A_30 = vector.extract_strided_slice %get3A_12 {offsets = [0, 320], sizes = [512, 32], strides = [1, 1]} : vector<512x1024xf32> to vector<512x32xf32>
      %add3A_31 = arith.addf %add3A_29, %slice3A_30 : vector<512x32xf32>
      %slice3A_32 = vector.extract_strided_slice %get3A_12 {offsets = [0, 352], sizes = [512, 32], strides = [1, 1]} : vector<512x1024xf32> to vector<512x32xf32>
      %add3A_33 = arith.addf %add3A_31, %slice3A_32 : vector<512x32xf32>
      %slice3A_34 = vector.extract_strided_slice %get3A_12 {offsets = [0, 384], sizes = [512, 32], strides = [1, 1]} : vector<512x1024xf32> to vector<512x32xf32>
      %add3A_35 = arith.addf %add3A_33, %slice3A_34 : vector<512x32xf32>
      %slice3A_36 = vector.extract_strided_slice %get3A_12 {offsets = [0, 416], sizes = [512, 32], strides = [1, 1]} : vector<512x1024xf32> to vector<512x32xf32>
      %add3A_37 = arith.addf %add3A_35, %slice3A_36 : vector<512x32xf32>
      %slice3A_38 = vector.extract_strided_slice %get3A_12 {offsets = [0, 448], sizes = [512, 32], strides = [1, 1]} : vector<512x1024xf32> to vector<512x32xf32>
      %add3A_39 = arith.addf %add3A_37, %slice3A_38 : vector<512x32xf32>
      %slice3A_40 = vector.extract_strided_slice %get3A_12 {offsets = [0, 480], sizes = [512, 32], strides = [1, 1]} : vector<512x1024xf32> to vector<512x32xf32>
      %add3A_41 = arith.addf %add3A_39, %slice3A_40 : vector<512x32xf32>
      %slice3A_42 = vector.extract_strided_slice %get3A_12 {offsets = [0, 512], sizes = [512, 32], strides = [1, 1]} : vector<512x1024xf32> to vector<512x32xf32>
      %add3A_43 = arith.addf %add3A_41, %slice3A_42 : vector<512x32xf32>
      %slice3A_44 = vector.extract_strided_slice %get3A_12 {offsets = [0, 544], sizes = [512, 32], strides = [1, 1]} : vector<512x1024xf32> to vector<512x32xf32>
      %add3A_45 = arith.addf %add3A_43, %slice3A_44 : vector<512x32xf32>
      %slice3A_46 = vector.extract_strided_slice %get3A_12 {offsets = [0, 576], sizes = [512, 32], strides = [1, 1]} : vector<512x1024xf32> to vector<512x32xf32>
      %add3A_47 = arith.addf %add3A_45, %slice3A_46 : vector<512x32xf32>
      %slice3A_48 = vector.extract_strided_slice %get3A_12 {offsets = [0, 608], sizes = [512, 32], strides = [1, 1]} : vector<512x1024xf32> to vector<512x32xf32>
      %add3A_49 = arith.addf %add3A_47, %slice3A_48 : vector<512x32xf32>
      %slice3A_50 = vector.extract_strided_slice %get3A_12 {offsets = [0, 640], sizes = [512, 32], strides = [1, 1]} : vector<512x1024xf32> to vector<512x32xf32>
      %add3A_51 = arith.addf %add3A_49, %slice3A_50 : vector<512x32xf32>
      %slice3A_52 = vector.extract_strided_slice %get3A_12 {offsets = [0, 672], sizes = [512, 32], strides = [1, 1]} : vector<512x1024xf32> to vector<512x32xf32>
      %add3A_53 = arith.addf %add3A_51, %slice3A_52 : vector<512x32xf32>
      %slice3A_54 = vector.extract_strided_slice %get3A_12 {offsets = [0, 704], sizes = [512, 32], strides = [1, 1]} : vector<512x1024xf32> to vector<512x32xf32>
      %add3A_55 = arith.addf %add3A_53, %slice3A_54 : vector<512x32xf32>
      %slice3A_56 = vector.extract_strided_slice %get3A_12 {offsets = [0, 736], sizes = [512, 32], strides = [1, 1]} : vector<512x1024xf32> to vector<512x32xf32>
      %add3A_57 = arith.addf %add3A_55, %slice3A_56 : vector<512x32xf32>
      %slice3A_58 = vector.extract_strided_slice %get3A_12 {offsets = [0, 768], sizes = [512, 32], strides = [1, 1]} : vector<512x1024xf32> to vector<512x32xf32>
      %add3A_59 = arith.addf %add3A_57, %slice3A_58 : vector<512x32xf32>
      %slice3A_60 = vector.extract_strided_slice %get3A_12 {offsets = [0, 800], sizes = [512, 32], strides = [1, 1]} : vector<512x1024xf32> to vector<512x32xf32>
      %add3A_61 = arith.addf %add3A_59, %slice3A_60 : vector<512x32xf32>
      %slice3A_62 = vector.extract_strided_slice %get3A_12 {offsets = [0, 832], sizes = [512, 32], strides = [1, 1]} : vector<512x1024xf32> to vector<512x32xf32>
      %add3A_63 = arith.addf %add3A_61, %slice3A_62 : vector<512x32xf32>
      %slice3A_64 = vector.extract_strided_slice %get3A_12 {offsets = [0, 864], sizes = [512, 32], strides = [1, 1]} : vector<512x1024xf32> to vector<512x32xf32>
      %add3A_65 = arith.addf %add3A_63, %slice3A_64 : vector<512x32xf32>
      %slice3A_66 = vector.extract_strided_slice %get3A_12 {offsets = [0, 896], sizes = [512, 32], strides = [1, 1]} : vector<512x1024xf32> to vector<512x32xf32>
      %add3A_67 = arith.addf %add3A_65, %slice3A_66 : vector<512x32xf32>
      %slice3A_68 = vector.extract_strided_slice %get3A_12 {offsets = [0, 928], sizes = [512, 32], strides = [1, 1]} : vector<512x1024xf32> to vector<512x32xf32>
      %add3A_69 = arith.addf %add3A_67, %slice3A_68 : vector<512x32xf32>
      %slice3A_70 = vector.extract_strided_slice %get3A_12 {offsets = [0, 960], sizes = [512, 32], strides = [1, 1]} : vector<512x1024xf32> to vector<512x32xf32>
      %add3A_71 = arith.addf %add3A_69, %slice3A_70 : vector<512x32xf32>
      %slice3A_72 = vector.extract_strided_slice %get3A_12 {offsets = [0, 992], sizes = [512, 32], strides = [1, 1]} : vector<512x1024xf32> to vector<512x32xf32>
      %add3A_73 = arith.addf %add3A_71, %slice3A_72 : vector<512x32xf32>
      %get3A_74 = arith.constant 0 : index
      %get3A_75 = arith.constant 0 : index
      %get3A_76 = vector.load %arg2[%get3A_74, %get3A_75] : memref<8x32xf32, #tpu.memory_space<vmem>>, vector<8x32xf32>
      %dot_general3A = arith.constant dense<0.000000e+00> : vector<512x8xf32>
      %dot_general3A_77 = tpu.matmul %add3A_73, %get3A_76, %dot_general3A {dimension_numbers = #tpu.dot_dimension_numbers<[1], [1], [0], [0], [0, 0, 1, 0], [], []>, transpose_lhs_hint = false} : vector<512x32xf32>, vector<8x32xf32>, vector<512x8xf32> -> vector<512x8xf32>
      %reduce_max3A = arith.constant dense<0xFF800000> : vector<512xf32>
      %reduce_max3A_78 = vector.multi_reduction <maximumf>, %dot_general3A_77, %reduce_max3A [1] : vector<512x8xf32> to vector<512xf32>
      %broadcast_in_dim3A = vector.shape_cast %reduce_max3A_78 : vector<512xf32> to vector<512x1xf32>
      %sub3A = vector.broadcast %broadcast_in_dim3A : vector<512x1xf32> to vector<512x8xf32>
      %sub3A_79 = arith.subf %dot_general3A_77, %sub3A : vector<512x8xf32>
      %exp3A = math.exp %sub3A_79 : vector<512x8xf32>
      %reduce_sum3A = arith.constant dense<0.000000e+00> : vector<512xf32>
      %reduce_sum3A_80 = vector.multi_reduction <add>, %exp3A, %reduce_sum3A [1] : vector<512x8xf32> to vector<512xf32>
      %broadcast_in_dim3A_81 = vector.shape_cast %reduce_sum3A_80 : vector<512xf32> to vector<512x1xf32>
      %iota3A = tpu.iota {dimensions = array<i32: 1>} : vector<512x8xi32>
      %eq3A_82 = vector.broadcast %broadcast_in_dim3A : vector<512x1xf32> to vector<512x8xf32>
      %eq3A_83 = arith.cmpf oeq, %dot_general3A_77, %eq3A_82 : vector<512x8xf32>
      %jit3A = arith.constant 8 : i32
      %broadcast_in_dim3A_84 = vector.broadcast %jit3A : i32 to vector<512x8xi32>
      %select_n3A = arith.select %eq3A_83, %iota3A, %broadcast_in_dim3A_84 : vector<512x8xi1>, vector<512x8xi32>
      %reduce_min3A = arith.constant dense<2147483647> : vector<512xi32>
      %reduce_min3A_85 = vector.multi_reduction <minsi>, %select_n3A, %reduce_min3A [1] : vector<512x8xi32> to vector<512xi32>
      %broadcast_in_dim3A_86 = vector.shape_cast %reduce_min3A_85 : vector<512xi32> to vector<512x1xi32>
      %eq3A_87 = vector.broadcast %broadcast_in_dim3A_86 : vector<512x1xi32> to vector<512x8xi32>
      %eq3A_88 = arith.cmpi eq, %iota3A, %eq3A_87 : vector<512x8xi32>
      %convert_element_type3A_89 = arith.extui %eq3A_88 : vector<512x8xi1> to vector<512x8xi32>
      %convert_element_type3A_90 = arith.sitofp %convert_element_type3A_89 : vector<512x8xi32> to vector<512x8xf32>
      %swap3A = arith.constant 0 : index
      %swap3A_91 = arith.constant 0 : index
      %swap3A_92 = vector.load %arg3[%swap3A, %swap3A_91] : memref<512x8xf32, #tpu.memory_space<vmem>>, vector<512x8xf32>
      tpu.vector_store %arg3[%swap3A, %swap3A_91], %convert_element_type3A_90 {strides = array<i32>} : memref<512x8xf32, #tpu.memory_space<vmem>>, vector<512x8xf32>,
      %mul3A = arith.constant 512 : i32
      %mul3A_93 = arith.muli %arg0, %mul3A : i32
      %swap3A_94 = arith.index_cast %mul3A_93 : i32 to index
      %swap3A_95 = arith.constant 0 : index
      %swap3A_96 = vector.load %arg10[%swap3A_94, %swap3A_95] : memref<2048x8xf32, #tpu.memory_space<vmem>>, vector<512x8xf32>
      tpu.vector_store %arg10[%swap3A_94, %swap3A_95], %convert_element_type3A_90 {strides = array<i32>} : memref<2048x8xf32, #tpu.memory_space<vmem>>, vector<512x8xf32>,
      %iota3A_97 = tpu.iota {dimensions = array<i32: 0>} : vector<512x512xi32>
      %iota3A_98 = tpu.iota {dimensions = array<i32: 1>} : vector<512x512xi32>
      %lt3A_99 = arith.cmpi slt, %iota3A_98, %iota3A_97 : vector<512x512xi32>
      %convert_element_type3A_100 = arith.extui %lt3A_99 : vector<512x512xi1> to vector<512x512xi32>
      %convert_element_type3A_101 = arith.sitofp %convert_element_type3A_100 : vector<512x512xi32> to vector<512x512xf32>
      %dot_general3A_102 = arith.constant dense<0.000000e+00> : vector<512x8xf32>
      %dot_general3A_103 = tpu.matmul %convert_element_type3A_101, %convert_element_type3A_90, %dot_general3A_102 {dimension_numbers = #tpu.dot_dimension_numbers<[1], [0], [0], [1], [0, 0, 1, 1], [], []>, transpose_lhs_hint = false} : vector<512x512xf32>, vector<512x8xf32>, vector<512x8xf32> -> vector<512x8xf32>
      %mul3A_104 = arith.mulf %dot_general3A_103, %convert_element_type3A_90 : vector<512x8xf32>
      %reduce_sum3A_105 = arith.constant dense<0.000000e+00> : vector<512xf32>
      %reduce_sum3A_106 = vector.multi_reduction <add>, %mul3A_104, %reduce_sum3A_105 [1] : vector<512x8xf32> to vector<512xf32>
      %broadcast_in_dim3A_107 = vector.shape_cast %reduce_sum3A_106 : vector<512xf32> to vector<512x1xf32>
      %get3A_108 = arith.constant 0 : index
      %get3A_109 = arith.constant 0 : index
      %get3A_110 = vector.load %arg8[%get3A_108, %get3A_109] : memref<1x8xf32, #tpu.memory_space<vmem>>, vector<1x8xf32>
      %mul3A_111 = vector.broadcast %get3A_110 : vector<1x8xf32> to vector<512x8xf32>
      %mul3A_112 = arith.mulf %convert_element_type3A_90, %mul3A_111 : vector<512x8xf32>
      %reduce_sum3A_113 = arith.constant dense<0.000000e+00> : vector<512xf32>
      %reduce_sum3A_114 = vector.multi_reduction <add>, %mul3A_112, %reduce_sum3A_113 [1] : vector<512x8xf32> to vector<512xf32>
      %broadcast_in_dim3A_115 = vector.shape_cast %reduce_sum3A_114 : vector<512xf32> to vector<512x1xf32>
      %add3A_116 = arith.addf %broadcast_in_dim3A_107, %broadcast_in_dim3A_115 : vector<512x1xf32>
      %mul3A_117 = arith.constant 512 : i32
      %mul3A_118 = arith.muli %arg0, %mul3A_117 : i32
      %swap3A_119 = arith.index_cast %mul3A_118 : i32 to index
      %swap3A_120 = arith.constant 0 : index
      %swap3A_121 = vector.load %arg11[%swap3A_119, %swap3A_120] : memref<2048x1xf32, #tpu.memory_space<vmem>>, vector<512x1xf32>
      tpu.vector_store %arg11[%swap3A_119, %swap3A_120], %add3A_116 {strides = array<i32>} : memref<2048x1xf32, #tpu.memory_space<vmem>>, vector<512x1xf32>,
      %reduce_sum3A_122 = arith.constant dense<0.000000e+00> : vector<8xf32>
      %reduce_sum3A_123 = vector.multi_reduction <add>, %convert_element_type3A_90, %reduce_sum3A_122 [0] : vector<512x8xf32> to vector<8xf32>
      %broadcast_in_dim3A_124 = vector.shape_cast %reduce_sum3A_123 : vector<8xf32> to vector<1x8xf32>
      %add3A_125 = arith.addf %get3A_110, %broadcast_in_dim3A_124 : vector<1x8xf32>
      %swap3A_126 = arith.constant 0 : index
      %swap3A_127 = arith.constant 0 : index
      %swap3A_128 = vector.load %arg8[%swap3A_126, %swap3A_127] : memref<1x8xf32, #tpu.memory_space<vmem>>, vector<1x8xf32>
      tpu.vector_store %arg8[%swap3A_126, %swap3A_127], %add3A_125 {strides = array<i32>} : memref<1x8xf32, #tpu.memory_space<vmem>>, vector<1x8xf32>,
      %get3A_129 = arith.constant 0 : index
      %get3A_130 = arith.constant 0 : index
      %get3A_131 = vector.load %arg9[%get3A_129, %get3A_130] : memref<1x8xf32, #tpu.memory_space<vmem>>, vector<1x8xf32>
      %div3A = vector.broadcast %broadcast_in_dim3A_81 : vector<512x1xf32> to vector<512x8xf32>
      %div3A_132 = arith.divf %exp3A, %div3A : vector<512x8xf32>
      %reduce_sum3A_133 = arith.constant dense<0.000000e+00> : vector<8xf32>
      %reduce_sum3A_134 = vector.multi_reduction <add>, %div3A_132, %reduce_sum3A_133 [0] : vector<512x8xf32> to vector<8xf32>
      %broadcast_in_dim3A_135 = vector.shape_cast %reduce_sum3A_134 : vector<8xf32> to vector<1x8xf32>
      %add3A_136 = arith.addf %get3A_131, %broadcast_in_dim3A_135 : vector<1x8xf32>
      %swap3A_137 = arith.constant 0 : index
      %swap3A_138 = arith.constant 0 : index
      %swap3A_139 = vector.load %arg9[%swap3A_137, %swap3A_138] : memref<1x8xf32, #tpu.memory_space<vmem>>, vector<1x8xf32>
      tpu.vector_store %arg9[%swap3A_137, %swap3A_138], %add3A_136 {strides = array<i32>} : memref<1x8xf32, #tpu.memory_space<vmem>>, vector<1x8xf32>,
    } else {
    }
    %eq3A_6 = arith.constant 4 : i32
    %eq3A_7 = arith.cmpi eq, %arg0, %eq3A_6 : i32
    %convert_element_type3A_8 = arith.extui %eq3A_7 : i1 to i32
    %cond3A_9 = arith.constant 0 : i32
    %cond3A_10 = arith.cmpi ne, %convert_element_type3A_8, %cond3A_9 : i32
    scf.if %cond3A_10 {
      %get3A = arith.constant 0 : index
      %get3A_11 = arith.constant 0 : index
      %get3A_12 = vector.load %arg8[%get3A, %get3A_11] : memref<1x8xf32, #tpu.memory_space<vmem>>, vector<1x8xf32>
      %convert_element_type3A_13 = arith.fptosi %get3A_12 : vector<1x8xf32> to vector<1x8xi32>
      %add3A = arith.constant 255 : i32
      %add3A_14 = vector.broadcast %add3A : i32 to vector<1x8xi32>
      %add3A_15 = arith.addi %convert_element_type3A_13, %add3A_14 : vector<1x8xi32>
      %jit3A = arith.constant 256 : i32
      %div3A = vector.broadcast %jit3A : i32 to vector<1x8xi32>
      %div3A_16 = arith.divsi %add3A_15, %div3A : vector<1x8xi32>
      %sign3A = arith.constant 0 : i32
      %sign3A_17 = vector.broadcast %sign3A : i32 to vector<1x8xi32>
      %sign3A_18 = arith.cmpi sgt, %add3A_15, %sign3A_17 : vector<1x8xi32>
      %sign3A_19 = arith.extui %sign3A_18 : vector<1x8xi1> to vector<1x8xi32>
      %sign3A_20 = arith.constant 0 : i32
      %sign3A_21 = vector.broadcast %sign3A_20 : i32 to vector<1x8xi32>
      %sign3A_22 = arith.cmpi slt, %add3A_15, %sign3A_21 : vector<1x8xi32>
      %sign3A_23 = arith.extui %sign3A_22 : vector<1x8xi1> to vector<1x8xi32>
      %sign3A_24 = arith.subi %sign3A_19, %sign3A_23 : vector<1x8xi32>
      %sign3A_25 = arith.constant 0 : i32
      %sign3A_26 = arith.cmpi sgt, %jit3A, %sign3A_25 : i32
      %sign3A_27 = arith.extui %sign3A_26 : i1 to i32
      %sign3A_28 = arith.constant 0 : i32
      %sign3A_29 = arith.cmpi slt, %jit3A, %sign3A_28 : i32
      %sign3A_30 = arith.extui %sign3A_29 : i1 to i32
      %sign3A_31 = arith.subi %sign3A_27, %sign3A_30 : i32
      %ne3A = vector.broadcast %sign3A_31 : i32 to vector<1x8xi32>
      %ne3A_32 = arith.cmpi ne, %sign3A_24, %ne3A : vector<1x8xi32>
      %rem3A = vector.broadcast %jit3A : i32 to vector<1x8xi32>
      %rem3A_33 = arith.remsi %add3A_15, %rem3A : vector<1x8xi32>
      %ne3A_34 = arith.constant 0 : i32
      %ne3A_35 = vector.broadcast %ne3A_34 : i32 to vector<1x8xi32>
      %ne3A_36 = arith.cmpi ne, %rem3A_33, %ne3A_35 : vector<1x8xi32>
      %and3A = arith.andi %ne3A_32, %ne3A_36 : vector<1x8xi1>
      %sub3A = arith.constant 1 : i32
      %sub3A_37 = vector.broadcast %sub3A : i32 to vector<1x8xi32>
      %sub3A_38 = arith.subi %div3A_16, %sub3A_37 : vector<1x8xi32>
      %select_n3A = arith.select %and3A, %sub3A_38, %div3A_16 : vector<1x8xi1>, vector<1x8xi32>
      %mul3A = arith.constant 256 : i32
      %mul3A_39 = vector.broadcast %mul3A : i32 to vector<1x8xi32>
      %mul3A_40 = arith.muli %select_n3A, %mul3A_39 : vector<1x8xi32>
      %iota3A = tpu.iota {dimensions = array<i32: 0>} : vector<8x8xi32>
      %iota3A_41 = tpu.iota {dimensions = array<i32: 1>} : vector<8x8xi32>
      %lt3A_42 = arith.cmpi slt, %iota3A, %iota3A_41 : vector<8x8xi32>
      %convert_element_type3A_43 = arith.extui %lt3A_42 : vector<8x8xi1> to vector<8x8xi32>
      %convert_element_type3A_44 = arith.sitofp %convert_element_type3A_43 : vector<8x8xi32> to vector<8x8xf32>
      %convert_element_type3A_45 = arith.sitofp %mul3A_40 : vector<1x8xi32> to vector<1x8xf32>
      %dot_general3A = arith.constant dense<0.000000e+00> : vector<1x8xf32>
      %dot_general3A_46 = tpu.matmul %convert_element_type3A_45, %convert_element_type3A_44, %dot_general3A {dimension_numbers = #tpu.dot_dimension_numbers<[1], [0], [0], [1], [0, 0, 1, 1], [], []>, transpose_lhs_hint = false} : vector<1x8xf32>, vector<8x8xf32>, vector<1x8xf32> -> vector<1x8xf32>
      %get3A_47 = arith.constant 0 : index
      %get3A_48 = arith.constant 0 : index
      %get3A_49 = vector.load %arg10[%get3A_47, %get3A_48] : memref<2048x8xf32, #tpu.memory_space<vmem>>, vector<2048x8xf32>
      %mul3A_50 = vector.broadcast %dot_general3A_46 : vector<1x8xf32> to vector<2048x8xf32>
      %mul3A_51 = arith.mulf %get3A_49, %mul3A_50 : vector<2048x8xf32>
      %reduce_sum3A = arith.constant dense<0.000000e+00> : vector<2048xf32>
      %reduce_sum3A_52 = vector.multi_reduction <add>, %mul3A_51, %reduce_sum3A [1] : vector<2048x8xf32> to vector<2048xf32>
      %broadcast_in_dim3A = vector.shape_cast %reduce_sum3A_52 : vector<2048xf32> to vector<2048x1xf32>
      %get3A_53 = arith.constant 0 : index
      %get3A_54 = arith.constant 0 : index
      %get3A_55 = vector.load %arg11[%get3A_53, %get3A_54] : memref<2048x1xf32, #tpu.memory_space<vmem>>, vector<2048x1xf32>
      %add3A_56 = arith.addf %get3A_55, %broadcast_in_dim3A : vector<2048x1xf32>
      %convert_element_type3A_57 = arith.fptosi %add3A_56 : vector<2048x1xf32> to vector<2048x1xi32>
      %reshape3A = vector.shape_cast %convert_element_type3A_57 : vector<2048x1xi32> to vector<128x16xi32>
      %swap3A = arith.constant 0 : index
      %swap3A_58 = arith.constant 0 : index
      %swap3A_59 = vector.load %arg4[%swap3A, %swap3A_58] : memref<128x16xi32, #tpu.memory_space<vmem>>, vector<128x16xi32>
      tpu.vector_store %arg4[%swap3A, %swap3A_58], %reshape3A {strides = array<i32>} : memref<128x16xi32, #tpu.memory_space<vmem>>, vector<128x16xi32>,
      %iota3A_60 = tpu.iota {dimensions = array<i32: 0>} : vector<16x8xi32>
      %mul3A_61 = arith.constant 256 : i32
      %mul3A_62 = vector.broadcast %mul3A_61 : i32 to vector<16x8xi32>
      %mul3A_63 = arith.muli %mul3A_62, %iota3A_60 : vector<16x8xi32>
      %convert_element_type3A_64 = arith.fptosi %dot_general3A_46 : vector<1x8xf32> to vector<1x8xi32>
      %broadcast_in_dim3A_65 = vector.shape_cast %convert_element_type3A_64 : vector<1x8xi32> to vector<1x8xi32>
      %broadcast_in_dim3A_66 = vector.broadcast %broadcast_in_dim3A_65 : vector<1x8xi32> to vector<16x8xi32>
      %broadcast_in_dim3A_67 = vector.shape_cast %mul3A_40 : vector<1x8xi32> to vector<1x8xi32>
      %broadcast_in_dim3A_68 = vector.broadcast %broadcast_in_dim3A_67 : vector<1x8xi32> to vector<16x8xi32>
      %ge3A = arith.cmpi sge, %mul3A_63, %broadcast_in_dim3A_66 : vector<16x8xi32>
      %add3A_69 = arith.addi %broadcast_in_dim3A_66, %broadcast_in_dim3A_68 : vector<16x8xi32>
      %lt3A_70 = arith.cmpi slt, %mul3A_63, %add3A_69 : vector<16x8xi32>
      %and3A_71 = arith.andi %ge3A, %lt3A_70 : vector<16x8xi1>
      %iota3A_72 = tpu.iota {dimensions = array<i32: 1>} : vector<16x8xi32>
      %jit3A_73 = arith.constant 0 : i32
      %broadcast_in_dim3A_74 = vector.broadcast %jit3A_73 : i32 to vector<16x8xi32>
      %select_n3A_75 = arith.select %and3A_71, %iota3A_72, %broadcast_in_dim3A_74 : vector<16x8xi1>, vector<16x8xi32>
      %reduce_sum3A_76 = arith.constant dense<0> : vector<16xi32>
      %reduce_sum3A_77 = vector.multi_reduction <add>, %select_n3A_75, %reduce_sum3A_76 [1] : vector<16x8xi32> to vector<16xi32>
      %broadcast_in_dim3A_78 = vector.shape_cast %reduce_sum3A_77 : vector<16xi32> to vector<16x1xi32>
      %swap3A_79 = arith.constant 0 : index
      %swap3A_80 = arith.constant 0 : index
      %swap3A_81 = vector.load %arg5[%swap3A_79, %swap3A_80] : memref<16x1xi32, #tpu.memory_space<vmem>>, vector<16x1xi32>
      tpu.vector_store %arg5[%swap3A_79, %swap3A_80], %broadcast_in_dim3A_78 {strides = array<i32>} : memref<16x1xi32, #tpu.memory_space<vmem>>, vector<16x1xi32>,
      %convert_element_type3A_82 = arith.extui %and3A_71 : vector<16x8xi1> to vector<16x8xi32>
      %reduce_sum3A_83 = arith.constant dense<0> : vector<16xi32>
      %reduce_sum3A_84 = vector.multi_reduction <add>, %convert_element_type3A_82, %reduce_sum3A_83 [1] : vector<16x8xi32> to vector<16xi32>
      %broadcast_in_dim3A_85 = vector.shape_cast %reduce_sum3A_84 : vector<16xi32> to vector<16x1xi32>
      %swap3A_86 = arith.constant 0 : index
      %swap3A_87 = arith.constant 0 : index
      %swap3A_88 = vector.load %arg6[%swap3A_86, %swap3A_87] : memref<16x1xi32, #tpu.memory_space<vmem>>, vector<16x1xi32>
      tpu.vector_store %arg6[%swap3A_86, %swap3A_87], %broadcast_in_dim3A_85 {strides = array<i32>} : memref<16x1xi32, #tpu.memory_space<vmem>>, vector<16x1xi32>,
      %get3A_89 = arith.constant 0 : index
      %get3A_90 = arith.constant 0 : index
      %get3A_91 = vector.load %arg9[%get3A_89, %get3A_90] : memref<1x8xf32, #tpu.memory_space<vmem>>, vector<1x8xf32>
      %div3A_92 = arith.constant 2.048000e+03 : f32
      %div3A_93 = vector.broadcast %div3A_92 : f32 to vector<1x8xf32>
      %div3A_94 = arith.divf %get3A_91, %div3A_93 : vector<1x8xf32>
      %div3A_95 = arith.constant 2.048000e+03 : f32
      %div3A_96 = vector.broadcast %div3A_95 : f32 to vector<1x8xf32>
      %div3A_97 = arith.divf %get3A_12, %div3A_96 : vector<1x8xf32>
      %mul3A_98 = arith.mulf %div3A_94, %div3A_97 : vector<1x8xf32>
      %reduce_sum3A_99 = vector.shape_cast %mul3A_98 : vector<1x8xf32> to vector<1x1x8xf32>
      %reduce_sum3A_100 = arith.constant dense<0.000000e+00> : vector<1xf32>
      %reduce_sum3A_101 = vector.multi_reduction <add>, %reduce_sum3A_99, %reduce_sum3A_100 [1, 2] : vector<1x1x8xf32> to vector<1xf32>
      %reduce_sum3A_102 = vector.shape_cast %reduce_sum3A_101 : vector<1xf32> to vector<1x1x1xf32>
      %reduce_sum3A_103 = vector.extract %reduce_sum3A_102[0, 0, 0] : f32 from vector<1x1x1xf32>
      %broadcast_in_dim3A_104 = vector.broadcast %reduce_sum3A_103 : f32 to vector<1x1xf32>
      %mul3A_105 = arith.constant 8.000000e+00 : f32
      %mul3A_106 = vector.broadcast %mul3A_105 : f32 to vector<1x1xf32>
      %mul3A_107 = arith.mulf %broadcast_in_dim3A_104, %mul3A_106 : vector<1x1xf32>
      %swap3A_108 = arith.constant 0 : index
      %swap3A_109 = arith.constant 0 : index
      %swap3A_110 = vector.load %arg7[%swap3A_108, %swap3A_109] : memref<1x1xf32, #tpu.memory_space<vmem>>, vector<1x1xf32>
      tpu.vector_store %arg7[%swap3A_108, %swap3A_109], %mul3A_107 {strides = array<i32>} : memref<1x1xf32, #tpu.memory_space<vmem>>, vector<1x1xf32>,
    } else {
    }
    return
  }
  func.func @transform_0(%arg0: i32) -> (i32, i32) {
    %min3A = arith.constant 3 : i32
    %min3A_0 = arith.minsi %arg0, %min3A : i32
    %c0_i32 = arith.constant 0 : i32
    %c0_i32_1 = arith.constant 0 : i32
    return %min3A_0, %c0_i32 : i32, i32
  }
  func.func @transform_1(%arg0: i32) -> (i32, i32) {
    %c0_i32 = arith.constant 0 : i32
    %c0_i32_0 = arith.constant 0 : i32
    %c0_i32_1 = arith.constant 0 : i32
    return %c0_i32, %c0_i32_0 : i32, i32
  }
  func.func @transform_2(%arg0: i32) -> (i32, i32) {
    %min3A = arith.constant 3 : i32
    %min3A_0 = arith.minsi %arg0, %min3A : i32
    %c0_i32 = arith.constant 0 : i32
    %c0_i32_1 = arith.constant 0 : i32
    return %min3A_0, %c0_i32 : i32, i32
  }
  func.func @transform_3(%arg0: i32) -> (i32, i32) {
    %c0_i32 = arith.constant 0 : i32
    %c0_i32_0 = arith.constant 0 : i32
    %c0_i32_1 = arith.constant 0 : i32
    return %c0_i32, %c0_i32_0 : i32, i32
  }
  func.func @transform_4(%arg0: i32) -> (i32, i32) {
    %c0_i32 = arith.constant 0 : i32
    %c0_i32_0 = arith.constant 0 : i32
    %c0_i32_1 = arith.constant 0 : i32
    return %c0_i32, %c0_i32_0 : i32, i32
  }
  func.func @transform_5(%arg0: i32) -> (i32, i32) {
    %c0_i32 = arith.constant 0 : i32
    %c0_i32_0 = arith.constant 0 : i32
    %c0_i32_1 = arith.constant 0 : i32
    return %c0_i32, %c0_i32_0 : i32, i32
  }
  func.func @transform_6(%arg0: i32) -> (i32, i32) {
    %c0_i32 = arith.constant 0 : i32
    %c0_i32_0 = arith.constant 0 : i32
    %c0_i32_1 = arith.constant 0 : i32
    return %c0_i32, %c0_i32_0 : i32, i32
  }
}

</mosaic_0001>

<sc_bundles>
// kernel: kernel.6.cloned.1.call-start
scs
__scs_entry_jumppad:
0x0: {  	(pc) =	sbr.rel $0x88, $3  }
0x1: {  	(tag) =	ssettag $0x0;
	lr =	simm.s32 $0x1  }
0x2: {  	[smem:$0x3F9D] =	sst lr;
	_ =	strace $0xD0000000  }
0x3: {  	_ = 	snop  }
0x4: {  	_ = 	snop  }
0x5: {  	_ = 	snop  }
0x6: {  	_ = 	snop  }
0x7: {  	_ = 	snop  }
__scs_overlays_trampoline_lowered:
0x8: {  	[smem:$0x3FAC] =	sst s0  }
0x9: {  	[smem:$0x3FAD] =	sst s1  }
0xa: {  	[smem:$0x3FAE] =	sst s2  }
0xb: {  	[smem:$0x3FAF] =	sst s3  }
0xc: {  	[smem:$0x3FB0] =	sst s4  }
0xd: {  	[smem:$0x3FB1] =	sst s5  }
0xe: {  	[smem:$0x3FB2] =	sst s6  }
0xf: {  	[smem:$0x3FB3] =	sst s7  }
0x10: {  	[smem:$0x3FB4] =	sst s8  }
0x11: {  	[smem:$0x3FB5] =	sst s9;
	s0 =	simm.s32 @!p0 $0x0  }
0x12: {  	s1 =	sld [smem:$0x3F9B];
	s0 =	simm.s32 @p0 $0x1  }
0x13: {  	[smem:$0x3FB6] =	sst s0;
	s0 =	simm.s32 @!p1 $0x0  }
0x14: {  	s2 =	sld [smem:$0x3F9A];
	s0 =	simm.s32 @p1 $0x1  }
0x15: {  	[smem:$0x3FB7] =	sst s0;
	s0 =	simm.s32 @!p2 $0x0  }
0x16: {  	s3 =	sld [smem:$0x3FDB];
	s0 =	simm.s32 @p2 $0x1  }
0x17: {  	s4 =	simm.s32 $0x1BF5;
	[smem:$0x3FB9] =	sst s0  }
0x18: {  	s0 =	sld [smem:$0x3F9C];
	_ =	swait.ge [sflag:s4], $0x0  }
0x19: {  	s7 =	sld [smem:$0x3F9D]  }
0x1a: {  	s8 =	sadd.s32 $0xFFFFE003, lr  }
0x1b: {  	s9 =	sadd.s32 $0xFFFFFEF7, lr;
	s5 =	simm.s32 $0xFFFFFFFF;
	p2 =	slt.u32 s8, $0xFFFFF086  }
0x1c: {  	p1 =	slt.u32 s9, $0xF7A;
	s5 =	simm.s32 @!p2 $0x0  }
0x1d: {  	s5 =	simm.s32 @p1 $0x1;
	p0 =	seq.s32 s7, s2  }
0x1e: {  	s7 =	smul.u32 @!p0 $0xF7A, s2;
	p2 =	seq.s32 @!p0 s5, $0x0  }
0x1f: {  	s9 =	smul.u32 $0xF7A, s1;
	s8 =	simm.s32 @!p0 $0x1BF5;
	p2 =	por !p2, p0  }
0x20: {  	[sflag:s8] =	ssyncset.s32 @!p0 $0xFFFFF086;
	s6 =	sadd.s32 @!p0 s3, s7;
	s7 =	simm.s32 @!p0 $0x108  }
0x21: {  	s3 =	sadd.s32 s3, s9;
	s6 =	sadd.s32 @!p0 $0x88, s6;
	s7 =	simm.s32 @p2 $0x1082  }
0x22: {  	[simem:s7], [sflag:s8] =	dma.local @!p0 [hbm:s6], $0xF7A  }
0x23: {  	s9 =	sor.u32 $0xD0000000, s2;
	s6 =	simm.s32 $0x108;
	_ =	swait.ge @!p0 [sflag:s8], $0x0  }
0x24: {  	s3 =	sadd.s32 $0x88, s3;
	s6 =	simm.s32 @!p1 $0x1082;
	[sflag:s4] =	ssyncset.s32 $0xFFFFF086  }
0x25: {  	[simem:s6], [sflag:s4] =	dma.local [hbm:s3], $0xF7A  }
0x26: {  	[smem:$0x3F9D] =	sst s1;
	(tag) =	ssettag s2;
	_ =	strace s9  }
0x27: {  	s1 =	sld [smem:$0x3FAD]  }
0x28: {  	s2 =	sld [smem:$0x3FAE]  }
0x29: {  	s4 =	sld [smem:$0x3FB0]  }
0x2a: {  	p0 =	seq.s32 s5, $0x0;
	s5 =	sld [smem:$0x3FB1]  }
0x2b: {  	s6 =	sld [smem:$0x3FB2]  }
0x2c: {  	s7 =	sld [smem:$0x3FB3]  }
0x2d: {  	s3 =	simm.s32 $0x108;
	s8 =	sld [smem:$0x3FB4]  }
0x2e: {  	s3 =	simm.s32 @!p0 $0x1082;
	s9 =	sld [smem:$0x3FB5]  }
0x2f: {  	lr =	sadd.s32 s0, s3;
	s0 =	sld [smem:$0x3FAC]  }
0x30: {  	s3 =	sld [smem:$0x3FAF]  }
0x31: {  	[smem:$0x3FB8] =	sst s10  }
0x32: {  	s10 =	sld [smem:$0x3FB6];
	_ =	sdelay $0x3  }
0x33: {  	p0 =	seq.s32 s10, $0x1;
	s10 =	sld [smem:$0x3FB8];
	_ =	sdelay $0x3  }
0x34: {  	[smem:$0x3FB8] =	sst s10  }
0x35: {  	s10 =	sld [smem:$0x3FB7];
	_ =	sdelay $0x3  }
0x36: {  	p1 =	seq.s32 s10, $0x1;
	s10 =	sld [smem:$0x3FB8];
	_ =	sdelay $0x3  }
0x37: {  	[smem:$0x3FB8] =	sst s10  }
0x38: {  	s10 =	sld [smem:$0x3FB9]  }
0x39: {  	_ = 	snop;
	(pc) =	sbr.ind lr, $3  }
0x3a: {  	_ = 	snop  }
0x3b: {  	_ = 	snop  }
0x3c: {  	p2 =	seq.s32 s10, $0x1;
	s10 =	sld [smem:$0x3FB8]  }
0x3d: {  	_ =	shalt  }
0x3e: {  	_ =	shalt  }
0x3f: {  	_ =	shalt  }
0x40: {  	_ =	shalt  }
0x41: {  	_ =	shalt  }
0x42: {  	_ =	shalt  }
0x43: {  	_ =	shalt  }
0x44: {  	_ =	shalt  }
0x45: {  	_ =	shalt  }
0x46: {  	_ =	shalt  }
0x47: {  	_ =	shalt  }
0x48: {  	_ =	shalt  }
0x49: {  	_ =	shalt  }
0x4a: {  	_ =	shalt  }
0x4b: {  	_ =	shalt  }
0x4c: {  	_ =	shalt  }
0x4d: {  	_ =	shalt  }
0x4e: {  	_ =	shalt  }
0x4f: {  	_ =	shalt  }
0x50: {  	_ =	shalt  }
0x51: {  	_ =	shalt  }
0x52: {  	_ =	shalt  }
0x53: {  	_ =	shalt  }
0x54: {  	_ =	shalt  }
0x55: {  	_ =	shalt  }
0x56: {  	_ =	shalt  }
0x57: {  	_ =	shalt  }
0x58: {  	_ =	shalt  }
0x59: {  	_ =	shalt  }
0x5a: {  	_ =	shalt  }
0x5b: {  	_ =	shalt  }
0x5c: {  	_ =	shalt  }
0x5d: {  	_ =	shalt  }
0x5e: {  	_ =	shalt  }
0x5f: {  	_ =	shalt  }
0x60: {  	_ =	shalt  }
0x61: {  	_ =	shalt  }
0x62: {  	_ =	shalt  }
0x63: {  	_ =	shalt  }
0x64: {  	_ =	shalt  }
0x65: {  	_ =	shalt  }
0x66: {  	_ =	shalt  }
0x67: {  	_ =	shalt  }
0x68: {  	_ =	shalt  }
0x69: {  	_ =	shalt  }
0x6a: {  	_ =	shalt  }
0x6b: {  	_ =	shalt  }
0x6c: {  	_ =	shalt  }
0x6d: {  	_ =	shalt  }
0x6e: {  	_ =	shalt  }
0x6f: {  	_ =	shalt  }
0x70: {  	_ =	shalt  }
0x71: {  	_ =	shalt  }
0x72: {  	_ =	shalt  }
0x73: {  	_ =	shalt  }
0x74: {  	_ =	shalt  }
0x75: {  	_ =	shalt  }
0x76: {  	_ =	shalt  }
0x77: {  	_ =	shalt  }
0x78: {  	_ =	shalt  }
0x79: {  	_ =	shalt  }
0x7a: {  	_ =	shalt  }
0x7b: {  	_ =	shalt  }
0x7c: {  	_ =	shalt  }
0x7d: {  	_ =	shalt  }
0x7e: {  	_ =	shalt  }
0x7f: {  	_ =	shalt  }
0x80: {  	_ =	shalt  }
0x81: {  	_ =	shalt  }
0x82: {  	_ =	shalt  }
0x83: {  	_ =	shalt  }
0x84: {  	_ =	shalt  }
0x85: {  	_ =	shalt  }
0x86: {  	_ =	shalt  }
0x87: {  	_ =	shalt  }
.Lfunc_end0:
.L_simem_size_0:
called_computation_lowered:
.L_overlay_start_0:
0x88: {  	s2 =	sld [smem:$0x3FD9]  }
0x89: {  	s3 =	sld [smem:$0x3FFE];
	_ =	sdelay $0x1  }
0x8a: {  	s1 =	srdreg.scid  }
0x8b: {  	s0 =	sand.u32 $0x1, s1  }
0x8c: {  	s17 =	sshll.u32 s0, $0xA;
	s2 =	sadd.s32 s3, s2  }
0x8d: {  	s2 =	sadd.s32 s2, s17  }
0x8e: {  	[smem:$0x3FC4] =	sst s2  }
0x8f: {  	_ = 	snop  }
0x90: {  	s2 =	sld [smem:$0x3FC9];
	(tm) =	ssettm $0x1  }
0x91: {  	s18 =	sld [smem:$0x3FFB];
	_ =	sdelay $0x3  }
0x92: {  	_ =	strace s18  }
0x93: {  	s3 =	sld [smem:$0x3FFC];
	_ =	sdelay $0x3  }
0x94: {  	_ =	strace s3  }
0x95: {  	s3 =	sld [smem:$0x3FFD];
	_ =	sdelay $0x3  }
0x96: {  	_ =	strace s3  }
0x97: {  	_ =	strace $0x8FFFFFFF  }
0x98: {  	s19 =	sld [smem:$0x3FDB];
	_ =	sdelay $0x1  }
0x99: {  	s4 =	simm.s32 $_scs_section_size  }
0x9a: {  	s5 =	simm.s32 $_size__tile_overlayer_lowered;
	s6 =	simm.s32 $_tile_overlayer_lowered  }
0x9b: {  	s22 =	simm.s32 $0x1BFF;
	s21 =	sshll.u32 s6, $0x1;
	s3 =	sadd.s32 s4, s19  }
0x9c: {  	s7 =	simm.s32 $0x0;
	s20 =	sshll.u32 s5, $0x1;
	s5 =	sadd.s32 s21, s3  }
0x9d: {  	[timem:s7], [sflag:s22] =	dma.local [hbm:s5], s20  }
0x9e: {  	_ =	swait.ge [sflag:s22], s20  }
0x9f: {  	s4 =	ssub.s32 $0x0, s20;
	[sflag:s22] =	ssyncset.done $0x0  }
0xa0: {  	[sflag:s22] =	ssyncadd.s32 s4;
	_ =	sdelay $0x1  }
0xa1: {  	s23 =	simm.s32 $0x1B8B  }
0xa2: {  	_ =	swait.ge [sflag:s23], $0x1  }
0xa3: {  	[sflag:s23] =	ssyncset.done $0x0  }
0xa4: {  	s25 =	simm.s32 $0x1B8E;
	s24 =	sld [smem:$0x3FFE];
	[sflag:s23] =	ssyncadd.s32 $0xFFFFFFFF  }
0xa5: {  	s26 =	simm.s32 $execute0_lowered;
	[smem:$0x3FD2] =	sst s25  }
0xa6: {  	s5 =	sshll.u32 s26, $0x1;
	_ =	strace $0x80000046;
	[dreg:$0x1] =	wrdreg $0xFFFFFFFF  }
0xa7: {  	s28 =	simm.s32 $_size_execute0_lowered;
	s3 =	sadd.s32 s3, s5;
	[dreg:$0x0] =	wrdreg $0x0  }
0xa8: {  	s5 =	sshll.u32 s28, $0x1;
	[dreg:$0x2] =	wrdreg s3  }
0xa9: {  	[dreg:$0x3] =	wrdreg s5  }
0xaa: {  	[dreg:$0x4] =	wrdreg $0xC0  }
0xab: {  	_ =	task [dreg:s7], $0x5FFFF  }
0xac: {  	[dreg:$0x1] =	wrdreg $0xFFFFFFFF  }
0xad: {  	[dreg:$0x0] =	wrdreg $0x60  }
0xae: {  	[dreg:$0x2] =	wrdreg s2  }
0xaf: {  	[dreg:$0x3] =	wrdreg s24  }
0xb0: {  	[dreg:$0x4] =	wrdreg $0x9  }
0xb1: {  	_ =	task.clear_ibuf [dreg:s7], $0x5FFFF;
	_ =	strace $0x90000046  }
0xb2: {  	s29 =	simm.s32 $0x9;
	_ =	strace $0x80000048  }
0xb3: {  	_ =	swait.ge [sflag:s29], $0x1  }
0xb4: {  	[sflag:s29] =	ssyncadd.s32 $0xFFFFFFFF  }
0xb5: {  	_ =	strace $0x90000048  }
0xb6: {  	_ =	sfence  }
0xb7: {  	s30 =	sld [smem:$0x0];
	_ =	sdelay $0x2  }
0xb8: {  	s31 =	sshll.u32 s1, $0xD;
	s1 =	sshrl.u32 s1, $0x2  }
0xb9: {  	s3 =	sand.u32 $0x4000, s31;
	s1 =	sadd.s32 s1, s30  }
0xba: {  	s0 =	sor.u32 s3, s0;
	s1 =	sshll.u32 s1, $0x11  }
0xbb: {  	s0 =	sor.u32 s1, s0  }
0xbc: {  	s0 =	sadd.s32 $0x8F2B, s0  }
0xbd: {  	[sflag:s0] =	ssyncadd.remote.s32 $0x1  }
0xbe: {  	_ =	sfence.sel $0xFFFF  }
0xbf: {  	[dreg:$0x0] =	wrdreg $0xFFFFFFFF;
	(pc) =	sbr.abs _section_cstart, $3  }
0xc0: {  	[dreg:$0x1] =	wrdreg $0xFFFFFFFF  }
0xc1: {  	_ =	task.clear_ibuf [dreg:s7], $0x2FFFF;
	_ =	strace $0x9FFFFFFF  }
0xc2: {  	(tm) =	ssettm $0x7FFFFFFF  }
0xc3: {  	_ =	shalt  }
tec
execute0_lowered:
.L_overlay_start_1:
0x0: {  	(tag) =	ssettag $0x1  }
0x1: {  	s0 =	rddreg [dreg:$0x0]  }
0x2: {  	s1 =	srdreg.scid;
	s7 =	rddreg [dreg:$0x1]  }
0x3: {  	s2 =	simm.s32 $0x0;
	s24 =	stileid.u32;
	s9 =	simm.s32 $0x1A00  }
0x4: {  	s10 =	simm.s32 $0x2200;
	s11 =	simm.s32 $0x2A00;
	[smem:$0x7FF] =	sst s2  }
0x5: {  	s12 =	simm.s32 $0x3200;
	_ =	strace $0x80000047;
	[dreg:$0x9] =	wrdreg s9  }
0x6: {  	s14 =	simm.s32 $0x3A00;
	s16 =	simm.s32 $0x4A00;
	[dreg:$0xa] =	wrdreg s10  }
0x7: {  	s17 =	simm.s32 $0x5200;
	s18 =	simm.s32 $0x5A00;
	[dreg:$0xb] =	wrdreg s11  }
0x8: {  	s19 =	simm.s32 $0x6200;
	s20 =	simm.s32 $0x6A00;
	[dreg:$0xc] =	wrdreg s12  }
0x9: {  	s21 =	simm.s32 $0x7200;
	s22 =	simm.s32 $0x7A00;
	[dreg:$0xd] =	wrdreg s14  }
0xa: {  	s23 =	simm.s32 $0x8A00;
	s28 =	simm.s32 $0xFA00;
	[dreg:$0xe] =	wrdreg s16  }
0xb: {  	s29 =	simm.s32 $0x5;
	s30 =	simm.s32 $0x6;
	[dreg:$0xf] =	wrdreg s17  }
0xc: {  	s31 =	simm.s32 $0x7;
	s5 =	sand.u32 $0x1, s1;
	[dreg:$0x10] =	wrdreg s18  }
0xd: {  	s4 =	sshll.u32 s24, $0x7;
	s6 =	sshll.u32 s24, $0xE;
	[dreg:$0x11] =	wrdreg s19  }
0xe: {  	s24 =	simm.s32 $0x9200;
	s1 =	sshll.u32 s5, $0x6;
	[dreg:$0x12] =	wrdreg s20  }
0xf: {  	s8 =	sshll.u32 s5, $0xD;
	s5 =	ssub.s32 $0x2, s5;
	[dreg:$0x13] =	wrdreg s21  }
0x10: {  	s9 =	simm.s32 $0x9;
	s10 =	simm.s32 $0x200;
	[dreg:$0x14] =	wrdreg s22  }
0x11: {  	s11 =	simm.s32 $0x4200;
	s12 =	simm.s32 $0x8200;
	[dreg:$0x15] =	wrdreg s23  }
0x12: {  	[dreg:$0x16] =	wrdreg s24;
	s14 =	simm.s32 $0x1;
	s16 =	simm.s32 $0x3  }
0x13: {  	s18 =	simm.s32 $0xB200;
	s19 =	simm.s32 $0xBA00;
	s20 =	simm.s32 $0x4  }
0x14: {  	s21 =	simm.s32 $0xCA00;
	s22 =	simm.s32 $0xD200;
	s23 =	simm.s32 $0xDA00  }
0x15: {  	s24 =	simm.s32 $0xE200;
	s25 =	sor.u32 s8, s6;
	s6 =	simm.s32 $0xA00  }
0x16: {  	s3 =	sadd.s32 s1, s7;
	s8 =	simm.s32 $0x1200;
	[dreg:$0x7] =	wrdreg s6  }
0x17: {  	s13 =	sshrl.u32 s5, $0x1;
	s3 =	sadd.s32 s4, s3;
	[dreg:$0x8] =	wrdreg s8  }
0x18: {  	s15 =	ssub.s32 s5, s13;
	s5 =	sadd.s32 $0x1F00, s7;
	s6 =	sadd.s32 $0x2000, s7  }
0x19: {  	s13 =	simm.s32 $0xC200;
	s26 =	sadd.s32 $0x1600, s3;
	s3 =	sadd.s32 s0, s25  }
0x1a: {  	s8 =	smax.u32 s15, $0x1;
	s25 =	simm.s32 $0x9A00;
	[dreg:$0x3] =	wrdreg s26  }
0x1b: {  	s15 =	simm.s32 $0x2;
	s0 =	sadd.s32 $0x800, s3;
	[dreg:$0x17] =	wrdreg s25  }
0x1c: {  	s1 =	sadd.s32 $0x1000, s3;
	s4 =	sadd.s32 $0x1800, s3;
	[dreg:$0x4] =	wrdreg s0  }
0x1d: {  	v2 =	vlaneseq.u32;
	s26 =	simm.s32 $0xA200;
	s25 =	simm.s32 $0xEA00;
	[dreg:$0x5] =	wrdreg s1  }
0x1e: {  	vm0 =	vmmov $0xffff;
	v1 =	vshrl.u32 v2, $0x3;
	[dreg:$0x6] =	wrdreg s4;
	s4 =	sadd.s32 $0x1E00, s7;
	s7 =	sadd.s32 $0x2100, s7  }
0x1f: {  	v0 =	vand.u32 $0x7, v2;
	v2 =	vor.u32 $0x8, v2;
	v1 =	vmul.u32 $0x8, v1;
	[dreg:$0x18] =	wrdreg s26;
	s26 =	simm.s32 $0xF200;
	s0 =	simm.s32 $0x8  }
.LBB2_1:
0x20: {  	s1 =	rddreg [dreg:$0x3]  }
0x21: {  	[tilespmem:s2], [sflag:$0x9] =	stream.linear.gather [hbm4b:s1+s2], $0x200, $0x38;
	[tilespmem:$0x10200] =	vst v63  }
0x22: {  	_ =	swait.ge [sflag:s9], $0x200  }
0x23: {  	[sflag:s9] =	ssyncset.done $0x0  }
0x24: {  	[sflag:s9] =	ssyncadd.s32 $0xFFFFFE00  }
0x25: {  	[tilespmem:s10], [sflag:$0x1] =	stream.linear.gather [hbm4b:s3+s2], $0x4000, $0x38;
	[tilespmem:$0x10200] =	vst v63  }
0x26: {  	s1 =	rddreg [dreg:$0x4]  }
0x27: {  	[tilespmem:s11], [sflag:$0x2] =	stream.linear.gather [hbm4b:s1+s2], $0x4000, $0x38;
	[tilespmem:$0x10200] =	vst v63  }
0x28: {  	s17 =	rddreg [dreg:$0x5]  }
0x29: {  	[tilespmem:s12], [sflag:$0x3] =	stream.linear.gather [hbm4b:s17+s2], $0x4000, $0x38;
	[tilespmem:$0x10200] =	vst v63  }
0x2a: {  	s1 =	rddreg [dreg:$0x6]  }
0x2b: {  	[tilespmem:s13], [sflag:$0x4] =	stream.linear.gather [hbm4b:s1+s2], $0x4000, $0x38;
	[tilespmem:$0x10200] =	vst v63  }
0x2c: {  	_ =	swait.ge [sflag:s14], $0x4000  }
0x2d: {  	[sflag:s14] =	ssyncset.done $0x0  }
0x2e: {  	[sflag:s14] =	ssyncadd.s32 $0xFFFFC000  }
0x2f: {  	v3 =	vld [tilespmem:$0x0];
	_ =	sdelay $0x4  }
0x30: {  	v4 =	vshll.u32 v3, $0x3  }
0x31: {  	v3 =	vand.u32 $0x7, v3;
	v4 =	vand.u32 $0xFFFFFFC0, v4  }
0x32: {  	v3 =	vor.u32 v3, v4  }
0x33: {  	v4 =	vperm.xlane v3, v0;
	_ =	sdelay $0x1  }
0x34: {  	v4 =	vadd.s32 v1, v4;
	_ =	sdelay $0x4  }
0x35: {  	[hbm4b:s4+s2] =	stream.indirect_vreg.scatter [tilespmem:s10], [sflag:$0x5], $0x80, v4, vm0, $0xb8;
	[tilespmem:$0x10200] =	vst v63  }
0x36: {  	s1 =	rddreg [dreg:$0x7];
	v3 =	vperm.xlane v3, v2  }
0x37: {  	[hbm4b:s5+s2] =	stream.indirect_vreg.scatter [tilespmem:s1], [sflag:$0x5], $0x80, v4, vm0, $0xb8;
	[tilespmem:$0x10200] =	vst v63  }
0x38: {  	s17 =	rddreg [dreg:$0x8];
	v3 =	vadd.s32 v1, v3  }
0x39: {  	[hbm4b:s6+s2] =	stream.indirect_vreg.scatter [tilespmem:s17], [sflag:$0x5], $0x80, v4, vm0, $0xb8;
	[tilespmem:$0x10200] =	vst v63  }
0x3a: {  	s1 =	rddreg [dreg:$0x9]  }
0x3b: {  	[hbm4b:s7+s2] =	stream.indirect_vreg.scatter [tilespmem:s1], [sflag:$0x5], $0x80, v4, vm0, $0xb8;
	[tilespmem:$0x10200] =	vst v63  }
0x3c: {  	s17 =	rddreg [dreg:$0xa]  }
0x3d: {  	[hbm4b:s4+s2] =	stream.indirect_vreg.scatter [tilespmem:s17], [sflag:$0x5], $0x80, v3, vm0, $0xb8;
	[tilespmem:$0x10200] =	vst v63  }
0x3e: {  	s1 =	rddreg [dreg:$0xb]  }
0x3f: {  	[hbm4b:s5+s2] =	stream.indirect_vreg.scatter [tilespmem:s1], [sflag:$0x5], $0x80, v3, vm0, $0xb8;
	[tilespmem:$0x10200] =	vst v63  }
0x40: {  	s17 =	rddreg [dreg:$0xc]  }
0x41: {  	[hbm4b:s6+s2] =	stream.indirect_vreg.scatter [tilespmem:s17], [sflag:$0x5], $0x80, v3, vm0, $0xb8;
	[tilespmem:$0x10200] =	vst v63  }
0x42: {  	s1 =	rddreg [dreg:$0xd]  }
0x43: {  	[hbm4b:s7+s2] =	stream.indirect_vreg.scatter [tilespmem:s1], [sflag:$0x5], $0x80, v3, vm0, $0xb8;
	[tilespmem:$0x10200] =	vst v63  }
0x44: {  	_ =	swait.ge [sflag:s15], $0x4000  }
0x45: {  	[sflag:s15] =	ssyncset.done $0x0  }
0x46: {  	[sflag:s15] =	ssyncadd.s32 $0xFFFFC000  }
0x47: {  	v3 =	vld [tilespmem:$0x80];
	_ =	sdelay $0x4  }
0x48: {  	v61 =	vshll.u32 v3, $0x3  }
0x49: {  	v3 =	vand.u32 $0x7, v3;
	v4 =	vand.u32 $0xFFFFFFC0, v61  }
0x4a: {  	v3 =	vor.u32 v3, v4  }
0x4b: {  	v4 =	vperm.xlane v3, v0;
	_ =	sdelay $0x1  }
0x4c: {  	v4 =	vadd.s32 v1, v4;
	_ =	sdelay $0x4  }
0x4d: {  	[hbm4b:s4+s2] =	stream.indirect_vreg.scatter [tilespmem:s11], [sflag:$0x6], $0x80, v4, vm0, $0xb8;
	[tilespmem:$0x10200] =	vst v63  }
0x4e: {  	s1 =	rddreg [dreg:$0xe];
	v3 =	vperm.xlane v3, v2  }
0x4f: {  	[hbm4b:s5+s2] =	stream.indirect_vreg.scatter [tilespmem:s1], [sflag:$0x6], $0x80, v4, vm0, $0xb8;
	[tilespmem:$0x10200] =	vst v63  }
0x50: {  	s17 =	rddreg [dreg:$0xf];
	v3 =	vadd.s32 v1, v3  }
0x51: {  	[hbm4b:s6+s2] =	stream.indirect_vreg.scatter [tilespmem:s17], [sflag:$0x6], $0x80, v4, vm0, $0xb8;
	[tilespmem:$0x10200] =	vst v63  }
0x52: {  	s1 =	rddreg [dreg:$0x10]  }
0x53: {  	[hbm4b:s7+s2] =	stream.indirect_vreg.scatter [tilespmem:s1], [sflag:$0x6], $0x80, v4, vm0, $0xb8;
	[tilespmem:$0x10200] =	vst v63  }
0x54: {  	s17 =	rddreg [dreg:$0x11]  }
0x55: {  	[hbm4b:s4+s2] =	stream.indirect_vreg.scatter [tilespmem:s17], [sflag:$0x6], $0x80, v3, vm0, $0xb8;
	[tilespmem:$0x10200] =	vst v63  }
0x56: {  	s1 =	rddreg [dreg:$0x12]  }
0x57: {  	[hbm4b:s5+s2] =	stream.indirect_vreg.scatter [tilespmem:s1], [sflag:$0x6], $0x80, v3, vm0, $0xb8;
	[tilespmem:$0x10200] =	vst v63  }
0x58: {  	s17 =	rddreg [dreg:$0x13]  }
0x59: {  	[hbm4b:s6+s2] =	stream.indirect_vreg.scatter [tilespmem:s17], [sflag:$0x6], $0x80, v3, vm0, $0xb8;
	[tilespmem:$0x10200] =	vst v63  }
0x5a: {  	s1 =	rddreg [dreg:$0x14]  }
0x5b: {  	[hbm4b:s7+s2] =	stream.indirect_vreg.scatter [tilespmem:s1], [sflag:$0x6], $0x80, v3, vm0, $0xb8;
	[tilespmem:$0x10200] =	vst v63  }
0x5c: {  	_ =	swait.ge [sflag:s16], $0x4000  }
0x5d: {  	[sflag:s16] =	ssyncset.done $0x0  }
0x5e: {  	[sflag:s16] =	ssyncadd.s32 $0xFFFFC000  }
0x5f: {  	v3 =	vld [tilespmem:$0x100];
	_ =	sdelay $0x4  }
0x60: {  	v62 =	vshll.u32 v3, $0x3  }
0x61: {  	v3 =	vand.u32 $0x7, v3;
	v4 =	vand.u32 $0xFFFFFFC0, v62  }
0x62: {  	v3 =	vor.u32 v3, v4  }
0x63: {  	v4 =	vperm.xlane v3, v0;
	_ =	sdelay $0x1  }
0x64: {  	v4 =	vadd.s32 v1, v4;
	_ =	sdelay $0x4  }
0x65: {  	[hbm4b:s4+s2] =	stream.indirect_vreg.scatter [tilespmem:s12], [sflag:$0x7], $0x80, v4, vm0, $0xb8;
	[tilespmem:$0x10200] =	vst v63  }
0x66: {  	s1 =	rddreg [dreg:$0x15];
	v3 =	vperm.xlane v3, v2  }
0x67: {  	[hbm4b:s5+s2] =	stream.indirect_vreg.scatter [tilespmem:s1], [sflag:$0x7], $0x80, v4, vm0, $0xb8;
	[tilespmem:$0x10200] =	vst v63  }
0x68: {  	s17 =	rddreg [dreg:$0x16];
	v3 =	vadd.s32 v1, v3  }
0x69: {  	[hbm4b:s6+s2] =	stream.indirect_vreg.scatter [tilespmem:s17], [sflag:$0x7], $0x80, v4, vm0, $0xb8;
	[tilespmem:$0x10200] =	vst v63  }
0x6a: {  	s1 =	rddreg [dreg:$0x17]  }
0x6b: {  	[hbm4b:s7+s2] =	stream.indirect_vreg.scatter [tilespmem:s1], [sflag:$0x7], $0x80, v4, vm0, $0xb8;
	[tilespmem:$0x10200] =	vst v63  }
0x6c: {  	s17 =	rddreg [dreg:$0x18]  }
0x6d: {  	[hbm4b:s4+s2] =	stream.indirect_vreg.scatter [tilespmem:s17], [sflag:$0x7], $0x80, v3, vm0, $0xb8;
	[tilespmem:$0x10200] =	vst v63  }
0x6e: {  	s17 =	simm.s32 $0xAA00  }
0x6f: {  	[hbm4b:s5+s2] =	stream.indirect_vreg.scatter [tilespmem:s17], [sflag:$0x7], $0x80, v3, vm0, $0xb8;
	[tilespmem:$0x10200] =	vst v63  }
0x70: {  	_ = 	snop  }
0x71: {  	[hbm4b:s6+s2] =	stream.indirect_vreg.scatter [tilespmem:s18], [sflag:$0x7], $0x80, v3, vm0, $0xb8;
	[tilespmem:$0x10200] =	vst v63  }
0x72: {  	_ = 	snop  }
0x73: {  	[hbm4b:s7+s2] =	stream.indirect_vreg.scatter [tilespmem:s19], [sflag:$0x7], $0x80, v3, vm0, $0xb8;
	[tilespmem:$0x10200] =	vst v63  }
0x74: {  	_ =	swait.ge [sflag:s20], $0x4000  }
0x75: {  	[sflag:s20] =	ssyncset.done $0x0  }
0x76: {  	[sflag:s20] =	ssyncadd.s32 $0xFFFFC000  }
0x77: {  	v3 =	vld [tilespmem:$0x180];
	_ =	sdelay $0x4  }
0x78: {  	v63 =	vshll.u32 v3, $0x3  }
0x79: {  	v3 =	vand.u32 $0x7, v3;
	v4 =	vand.u32 $0xFFFFFFC0, v63  }
0x7a: {  	v3 =	vor.u32 v3, v4  }
0x7b: {  	v4 =	vperm.xlane v3, v0;
	_ =	sdelay $0x1  }
0x7c: {  	v4 =	vadd.s32 v1, v4;
	_ =	sdelay $0x4  }
0x7d: {  	[hbm4b:s4+s2] =	stream.indirect_vreg.scatter [tilespmem:s13], [sflag:$0x8], $0x80, v4, vm0, $0xb8;
	[tilespmem:$0x10200] =	vst v63  }
0x7e: {  	v3 =	vperm.xlane v3, v2  }
0x7f: {  	[hbm4b:s5+s2] =	stream.indirect_vreg.scatter [tilespmem:s21], [sflag:$0x8], $0x80, v4, vm0, $0xb8;
	[tilespmem:$0x10200] =	vst v63  }
0x80: {  	v3 =	vadd.s32 v1, v3  }
0x81: {  	[hbm4b:s6+s2] =	stream.indirect_vreg.scatter [tilespmem:s22], [sflag:$0x8], $0x80, v4, vm0, $0xb8;
	[tilespmem:$0x10200] =	vst v63  }
0x82: {  	_ = 	snop  }
0x83: {  	[hbm4b:s7+s2] =	stream.indirect_vreg.scatter [tilespmem:s23], [sflag:$0x8], $0x80, v4, vm0, $0xb8;
	[tilespmem:$0x10200] =	vst v63  }
0x84: {  	_ = 	snop  }
0x85: {  	[hbm4b:s4+s2] =	stream.indirect_vreg.scatter [tilespmem:s24], [sflag:$0x8], $0x80, v3, vm0, $0xb8;
	[tilespmem:$0x10200] =	vst v63  }
0x86: {  	_ = 	snop  }
0x87: {  	[hbm4b:s5+s2] =	stream.indirect_vreg.scatter [tilespmem:s25], [sflag:$0x8], $0x80, v3, vm0, $0xb8;
	[tilespmem:$0x10200] =	vst v63  }
0x88: {  	_ = 	snop  }
0x89: {  	[hbm4b:s6+s2] =	stream.indirect_vreg.scatter [tilespmem:s26], [sflag:$0x8], $0x80, v3, vm0, $0xb8;
	[tilespmem:$0x10200] =	vst v63  }
0x8a: {  	_ = 	snop  }
0x8b: {  	[hbm4b:s7+s2] =	stream.indirect_vreg.scatter [tilespmem:s28], [sflag:$0x8], $0x80, v3, vm0, $0xb8;
	[tilespmem:$0x10200] =	vst v63  }
0x8c: {  	_ =	swait.ge [sflag:s29], $0x4000  }
0x8d: {  	[sflag:s29] =	ssyncset.done $0x0  }
0x8e: {  	[sflag:s29] =	ssyncadd.s32 $0xFFFFC000  }
0x8f: {  	_ =	swait.ge [sflag:s30], $0x4000  }
0x90: {  	[sflag:s30] =	ssyncset.done $0x0  }
0x91: {  	[sflag:s30] =	ssyncadd.s32 $0xFFFFC000  }
0x92: {  	p0 =	sne.s32 s8, $0x1;
	_ =	swait.ge [sflag:s31], $0x4000  }
.Ltmp0:
0x93: {  	[sflag:s31] =	ssyncset.done $0x0;
	(pc) =	sbr.rel @p0 .LBB2_1-.Ltmp0, $4  }
0x94: {  	[sflag:s31] =	ssyncadd.s32 $0xFFFFC000  }
0x95: {  	_ =	swait.ge [sflag:s0], $0x4000  }
0x96: {  	[sflag:s0] =	ssyncset.done $0x0  }
0x97: {  	s8 =	sadd.s32 $0xFFFFFFFF, s8;
	[sflag:s0] =	ssyncadd.s32 $0xFFFFC000  }
0x98: {  	_ =	sfence.sel $0x180000  }
0x99: {  	[bflag:$0x0] =	sbarrier.arrive $0xFFFF  }
0x9a: {  	_ =	strace $0x90000047  }
0x9b: {  	s0 =	stileid.u32;
	[bflag:$0x2] =	sbarrier.arrive $0xFFFF  }
0x9c: {  	p0 =	sne.s32 s0, $0x0;
	s0 =	rddreg [dreg:$0x2]  }
0x9d: {  	s0 =	sadd.s32 @!p0 $0x100000, s0  }
0x9e: {  	[sflag:s0] =	ssyncadd.tile.s32 @!p0 $0x1;
	_ =	shalt  }
.Lfunc_end2:
_tile_overlayer_lowered:
.L_overlay_start_2:
0x9f: {  	(tag) =	ssettag $0x2  }
0xa0: {  	s0 =	rddreg [dreg:$0x0];
	s2 =	stileid.u32  }
0xa1: {  	s1 =	rddreg [dreg:$0x1];
	p0 =	sne.s32 s2, $0x0  }
0xa2: {  	s3 =	rddreg [dreg:$0x2];
	[bflag:$0x3] =	sbarrier.arrive $0xFFFF;
	s2 =	simm.s32 @!p0 $0x1C09  }
0xa3: {  	[timem:s3], [sflag:s2] =	dma.local @!p0 [hbm:s0], s1  }
0xa4: {  	s0 =	simm.s32 @!p0 $0x9  }
0xa5: {  	_ =	swait.ge @!p0 [sflag:s0], s1  }
0xa6: {  	s1 =	ssub.s32 @!p0 $0x0, s1;
	[sflag:s0] =	ssyncset.done @!p0 $0x0  }
0xa7: {  	[sflag:s0] =	ssyncadd.s32 @!p0 s1  }
0xa8: {  	[bflag:$0x3] =	sbarrier.arrive $0xFFFF  }
0xa9: {  	_ =	shalt  }

// kernel: kernel.9.cloned.1.call-start
scs
__scs_entry_jumppad:
0x0: {  	(pc) =	sbr.rel $0x88, $3  }
0x1: {  	(tag) =	ssettag $0x0;
	lr =	simm.s32 $0x1  }
0x2: {  	[smem:$0x3F9D] =	sst lr;
	_ =	strace $0xD0000000  }
0x3: {  	_ = 	snop  }
0x4: {  	_ = 	snop  }
0x5: {  	_ = 	snop  }
0x6: {  	_ = 	snop  }
0x7: {  	_ = 	snop  }
__scs_overlays_trampoline_lowered:
0x8: {  	[smem:$0x3FAC] =	sst s0  }
0x9: {  	[smem:$0x3FAD] =	sst s1  }
0xa: {  	[smem:$0x3FAE] =	sst s2  }
0xb: {  	[smem:$0x3FAF] =	sst s3  }
0xc: {  	[smem:$0x3FB0] =	sst s4  }
0xd: {  	[smem:$0x3FB1] =	sst s5  }
0xe: {  	[smem:$0x3FB2] =	sst s6  }
0xf: {  	[smem:$0x3FB3] =	sst s7  }
0x10: {  	[smem:$0x3FB4] =	sst s8  }
0x11: {  	[smem:$0x3FB5] =	sst s9;
	s0 =	simm.s32 @!p0 $0x0  }
0x12: {  	s1 =	sld [smem:$0x3F9B];
	s0 =	simm.s32 @p0 $0x1  }
0x13: {  	[smem:$0x3FB6] =	sst s0;
	s0 =	simm.s32 @!p1 $0x0  }
0x14: {  	s2 =	sld [smem:$0x3F9A];
	s0 =	simm.s32 @p1 $0x1  }
0x15: {  	[smem:$0x3FB7] =	sst s0;
	s0 =	simm.s32 @!p2 $0x0  }
0x16: {  	s3 =	sld [smem:$0x3FDB];
	s0 =	simm.s32 @p2 $0x1  }
0x17: {  	s4 =	simm.s32 $0x1BF5;
	[smem:$0x3FB9] =	sst s0  }
0x18: {  	s0 =	sld [smem:$0x3F9C];
	_ =	swait.ge [sflag:s4], $0x0  }
0x19: {  	s7 =	sld [smem:$0x3F9D]  }
0x1a: {  	s8 =	sadd.s32 $0xFFFFE003, lr  }
0x1b: {  	s9 =	sadd.s32 $0xFFFFFEF7, lr;
	s5 =	simm.s32 $0xFFFFFFFF;
	p2 =	slt.u32 s8, $0xFFFFF086  }
0x1c: {  	p1 =	slt.u32 s9, $0xF7A;
	s5 =	simm.s32 @!p2 $0x0  }
0x1d: {  	s5 =	simm.s32 @p1 $0x1;
	p0 =	seq.s32 s7, s2  }
0x1e: {  	s7 =	smul.u32 @!p0 $0xF7A, s2;
	p2 =	seq.s32 @!p0 s5, $0x0  }
0x1f: {  	s9 =	smul.u32 $0xF7A, s1;
	s8 =	simm.s32 @!p0 $0x1BF5;
	p2 =	por !p2, p0  }
0x20: {  	[sflag:s8] =	ssyncset.s32 @!p0 $0xFFFFF086;
	s6 =	sadd.s32 @!p0 s3, s7;
	s7 =	simm.s32 @!p0 $0x108  }
0x21: {  	s3 =	sadd.s32 s3, s9;
	s6 =	sadd.s32 @!p0 $0x88, s6;
	s7 =	simm.s32 @p2 $0x1082  }
0x22: {  	[simem:s7], [sflag:s8] =	dma.local @!p0 [hbm:s6], $0xF7A  }
0x23: {  	s9 =	sor.u32 $0xD0000000, s2;
	s6 =	simm.s32 $0x108;
	_ =	swait.ge @!p0 [sflag:s8], $0x0  }
0x24: {  	s3 =	sadd.s32 $0x88, s3;
	s6 =	simm.s32 @!p1 $0x1082;
	[sflag:s4] =	ssyncset.s32 $0xFFFFF086  }
0x25: {  	[simem:s6], [sflag:s4] =	dma.local [hbm:s3], $0xF7A  }
0x26: {  	[smem:$0x3F9D] =	sst s1;
	(tag) =	ssettag s2;
	_ =	strace s9  }
0x27: {  	s1 =	sld [smem:$0x3FAD]  }
0x28: {  	s2 =	sld [smem:$0x3FAE]  }
0x29: {  	s4 =	sld [smem:$0x3FB0]  }
0x2a: {  	p0 =	seq.s32 s5, $0x0;
	s5 =	sld [smem:$0x3FB1]  }
0x2b: {  	s6 =	sld [smem:$0x3FB2]  }
0x2c: {  	s7 =	sld [smem:$0x3FB3]  }
0x2d: {  	s3 =	simm.s32 $0x108;
	s8 =	sld [smem:$0x3FB4]  }
0x2e: {  	s3 =	simm.s32 @!p0 $0x1082;
	s9 =	sld [smem:$0x3FB5]  }
0x2f: {  	lr =	sadd.s32 s0, s3;
	s0 =	sld [smem:$0x3FAC]  }
0x30: {  	s3 =	sld [smem:$0x3FAF]  }
0x31: {  	[smem:$0x3FB8] =	sst s10  }
0x32: {  	s10 =	sld [smem:$0x3FB6];
	_ =	sdelay $0x3  }
0x33: {  	p0 =	seq.s32 s10, $0x1;
	s10 =	sld [smem:$0x3FB8];
	_ =	sdelay $0x3  }
0x34: {  	[smem:$0x3FB8] =	sst s10  }
0x35: {  	s10 =	sld [smem:$0x3FB7];
	_ =	sdelay $0x3  }
0x36: {  	p1 =	seq.s32 s10, $0x1;
	s10 =	sld [smem:$0x3FB8];
	_ =	sdelay $0x3  }
0x37: {  	[smem:$0x3FB8] =	sst s10  }
0x38: {  	s10 =	sld [smem:$0x3FB9]  }
0x39: {  	_ = 	snop;
	(pc) =	sbr.ind lr, $3  }
0x3a: {  	_ = 	snop  }
0x3b: {  	_ = 	snop  }
0x3c: {  	p2 =	seq.s32 s10, $0x1;
	s10 =	sld [smem:$0x3FB8]  }
0x3d: {  	_ =	shalt  }
0x3e: {  	_ =	shalt  }
0x3f: {  	_ =	shalt  }
0x40: {  	_ =	shalt  }
0x41: {  	_ =	shalt  }
0x42: {  	_ =	shalt  }
0x43: {  	_ =	shalt  }
0x44: {  	_ =	shalt  }
0x45: {  	_ =	shalt  }
0x46: {  	_ =	shalt  }
0x47: {  	_ =	shalt  }
0x48: {  	_ =	shalt  }
0x49: {  	_ =	shalt  }
0x4a: {  	_ =	shalt  }
0x4b: {  	_ =	shalt  }
0x4c: {  	_ =	shalt  }
0x4d: {  	_ =	shalt  }
0x4e: {  	_ =	shalt  }
0x4f: {  	_ =	shalt  }
0x50: {  	_ =	shalt  }
0x51: {  	_ =	shalt  }
0x52: {  	_ =	shalt  }
0x53: {  	_ =	shalt  }
0x54: {  	_ =	shalt  }
0x55: {  	_ =	shalt  }
0x56: {  	_ =	shalt  }
0x57: {  	_ =	shalt  }
0x58: {  	_ =	shalt  }
0x59: {  	_ =	shalt  }
0x5a: {  	_ =	shalt  }
0x5b: {  	_ =	shalt  }
0x5c: {  	_ =	shalt  }
0x5d: {  	_ =	shalt  }
0x5e: {  	_ =	shalt  }
0x5f: {  	_ =	shalt  }
0x60: {  	_ =	shalt  }
0x61: {  	_ =	shalt  }
0x62: {  	_ =	shalt  }
0x63: {  	_ =	shalt  }
0x64: {  	_ =	shalt  }
0x65: {  	_ =	shalt  }
0x66: {  	_ =	shalt  }
0x67: {  	_ =	shalt  }
0x68: {  	_ =	shalt  }
0x69: {  	_ =	shalt  }
0x6a: {  	_ =	shalt  }
0x6b: {  	_ =	shalt  }
0x6c: {  	_ =	shalt  }
0x6d: {  	_ =	shalt  }
0x6e: {  	_ =	shalt  }
0x6f: {  	_ =	shalt  }
0x70: {  	_ =	shalt  }
0x71: {  	_ =	shalt  }
0x72: {  	_ =	shalt  }
0x73: {  	_ =	shalt  }
0x74: {  	_ =	shalt  }
0x75: {  	_ =	shalt  }
0x76: {  	_ =	shalt  }
0x77: {  	_ =	shalt  }
0x78: {  	_ =	shalt  }
0x79: {  	_ =	shalt  }
0x7a: {  	_ =	shalt  }
0x7b: {  	_ =	shalt  }
0x7c: {  	_ =	shalt  }
0x7d: {  	_ =	shalt  }
0x7e: {  	_ =	shalt  }
0x7f: {  	_ =	shalt  }
0x80: {  	_ =	shalt  }
0x81: {  	_ =	shalt  }
0x82: {  	_ =	shalt  }
0x83: {  	_ =	shalt  }
0x84: {  	_ =	shalt  }
0x85: {  	_ =	shalt  }
0x86: {  	_ =	shalt  }
0x87: {  	_ =	shalt  }
.Lfunc_end0:
.L_simem_size_0:
called_computation.1_lowered:
.L_overlay_start_0:
0x88: {  	s2 =	sld [smem:$0x3FD9]  }
0x89: {  	s3 =	sld [smem:$0x3FFE];
	_ =	sdelay $0x1  }
0x8a: {  	s1 =	srdreg.scid  }
0x8b: {  	s0 =	sand.u32 $0x1, s1  }
0x8c: {  	s14 =	sshll.u32 s0, $0xA;
	s2 =	sadd.s32 s3, s2  }
0x8d: {  	s2 =	sadd.s32 s2, s14  }
0x8e: {  	[smem:$0x3FC4] =	sst s2  }
0x8f: {  	_ = 	snop  }
0x90: {  	s2 =	sld [smem:$0x3FD0];
	_ =	sdelay $0x2  }
0x91: {  	s15 =	simm.s32 $0xA;
	s4 =	simm.s32 $0x10  }
0x92: {  	[smem:s4], [sflag:s15] =	dma.local [hbm:s2], $0x1  }
0x93: {  	_ =	swait.eq [sflag:s15], $0x1  }
0x94: {  	[sflag:s15] =	ssyncset.done $0x0  }
0x95: {  	[sflag:s15] =	ssyncadd.s32 $0xFFFFFFFF  }
0x96: {  	s16 =	sld [smem:$0x10];
	(tm) =	ssettm $0x1  }
0x97: {  	s17 =	sld [smem:$0x3FFB];
	_ =	sdelay $0x3  }
0x98: {  	_ =	strace s17  }
0x99: {  	s3 =	sld [smem:$0x3FFC];
	_ =	sdelay $0x3  }
0x9a: {  	_ =	strace s3  }
0x9b: {  	s3 =	sld [smem:$0x3FFD];
	_ =	sdelay $0x3  }
0x9c: {  	_ =	strace s3  }
0x9d: {  	_ =	strace $0x8FFFFFFF  }
0x9e: {  	s18 =	sld [smem:$0x3FDB];
	_ =	sdelay $0x1  }
0x9f: {  	s19 =	simm.s32 $_scs_section_size  }
0xa0: {  	s5 =	simm.s32 $_size__tile_overlayer_lowered;
	s6 =	simm.s32 $_tile_overlayer_lowered  }
0xa1: {  	s22 =	simm.s32 $0x1BFF;
	s21 =	sshll.u32 s6, $0x1;
	s3 =	sadd.s32 s19, s18  }
0xa2: {  	s7 =	simm.s32 $0x0;
	s20 =	sshll.u32 s5, $0x1;
	s5 =	sadd.s32 s21, s3  }
0xa3: {  	[timem:s7], [sflag:s22] =	dma.local [hbm:s5], s20  }
0xa4: {  	_ =	swait.ge [sflag:s22], s20  }
0xa5: {  	s4 =	ssub.s32 $0x0, s20;
	[sflag:s22] =	ssyncset.done $0x0  }
0xa6: {  	[sflag:s22] =	ssyncadd.s32 s4;
	_ =	sdelay $0x1  }
0xa7: {  	s23 =	simm.s32 $0x1B8B  }
0xa8: {  	_ =	swait.ge [sflag:s23], $0x1  }
0xa9: {  	[sflag:s23] =	ssyncset.done $0x0  }
0xaa: {  	s25 =	simm.s32 $0x1B8E;
	s24 =	sld [smem:$0x3FFE];
	[sflag:s23] =	ssyncadd.s32 $0xFFFFFFFF  }
0xab: {  	s26 =	simm.s32 $execute0_lowered;
	[smem:$0x3FD2] =	sst s25  }
0xac: {  	s5 =	sshll.u32 s26, $0x1;
	_ =	strace $0x80000049;
	[dreg:$0x1] =	wrdreg $0xFFFFFFFF  }
0xad: {  	s28 =	simm.s32 $_size_execute0_lowered;
	s3 =	sadd.s32 s3, s5;
	[dreg:$0x0] =	wrdreg $0x0  }
0xae: {  	s5 =	sshll.u32 s28, $0x1;
	[dreg:$0x2] =	wrdreg s3  }
0xaf: {  	[dreg:$0x3] =	wrdreg s5  }
0xb0: {  	[dreg:$0x4] =	wrdreg $0xC0  }
0xb1: {  	_ =	task [dreg:s7], $0x5FFFF  }
0xb2: {  	[dreg:$0x1] =	wrdreg $0xFFFFFFFF  }
0xb3: {  	[dreg:$0x0] =	wrdreg $0x60  }
0xb4: {  	[dreg:$0x2] =	wrdreg s24  }
0xb5: {  	[dreg:$0x3] =	wrdreg s16  }
0xb6: {  	[dreg:$0x4] =	wrdreg $0x9  }
0xb7: {  	_ =	task.clear_ibuf [dreg:s7], $0x5FFFF;
	_ =	strace $0x90000049  }
0xb8: {  	s29 =	simm.s32 $0x9;
	_ =	strace $0x8000004B  }
0xb9: {  	_ =	swait.ge [sflag:s29], $0x1  }
0xba: {  	[sflag:s29] =	ssyncadd.s32 $0xFFFFFFFF  }
0xbb: {  	_ =	strace $0x9000004B  }
0xbc: {  	_ =	sfence  }
0xbd: {  	s30 =	sld [smem:$0x0];
	_ =	sdelay $0x2  }
0xbe: {  	s31 =	sshll.u32 s1, $0xD;
	s1 =	sshrl.u32 s1, $0x2  }
0xbf: {  	s3 =	sand.u32 $0x4000, s31;
	s1 =	sadd.s32 s1, s30  }
0xc0: {  	s0 =	sor.u32 s3, s0;
	s1 =	sshll.u32 s1, $0x11  }
0xc1: {  	s0 =	sor.u32 s1, s0  }
0xc2: {  	s0 =	sadd.s32 $0x8F2B, s0  }
0xc3: {  	[sflag:s0] =	ssyncadd.remote.s32 $0x1  }
0xc4: {  	_ =	sfence.sel $0xFFFF  }
0xc5: {  	[dreg:$0x0] =	wrdreg $0xFFFFFFFF;
	(pc) =	sbr.abs _section_cstart, $3  }
0xc6: {  	[dreg:$0x1] =	wrdreg $0xFFFFFFFF  }
0xc7: {  	_ =	task.clear_ibuf [dreg:s7], $0x2FFFF;
	_ =	strace $0x9FFFFFFF  }
0xc8: {  	(tm) =	ssettm $0x7FFFFFFF  }
0xc9: {  	_ =	shalt  }
tec
execute0_lowered:
.L_overlay_start_1:
0x0: {  	(tag) =	ssettag $0x1  }
0x1: {  	s0 =	rddreg [dreg:$0x0]  }
0x2: {  	s3 =	rddreg [dreg:$0x1];
	s2 =	simm.s32 $0x0  }
0x3: {  	s1 =	srdreg.scid;
	s9 =	simm.s32 $0x1200;
	[smem:$0x7FF] =	sst s2  }
0x4: {  	s10 =	simm.s32 $0x1A00;
	_ =	strace $0x8000004A;
	[dreg:$0x8] =	wrdreg s9  }
0x5: {  	s25 =	stileid.u32;
	s11 =	simm.s32 $0x2200;
	[dreg:$0x9] =	wrdreg s10  }
0x6: {  	s12 =	simm.s32 $0x2A00;
	s13 =	simm.s32 $0x3200;
	[dreg:$0xa] =	wrdreg s11  }
0x7: {  	s14 =	simm.s32 $0x3A00;
	s15 =	simm.s32 $0x4A00;
	[dreg:$0xb] =	wrdreg s12  }
0x8: {  	s16 =	simm.s32 $0x5200;
	s18 =	simm.s32 $0x5A00;
	[dreg:$0xc] =	wrdreg s13  }
0x9: {  	s20 =	simm.s32 $0x6200;
	s21 =	simm.s32 $0x6A00;
	[dreg:$0xd] =	wrdreg s14  }
0xa: {  	s22 =	simm.s32 $0x7A00;
	s23 =	simm.s32 $0x8A00;
	[dreg:$0xe] =	wrdreg s15  }
0xb: {  	s24 =	simm.s32 $0x9200;
	s28 =	simm.s32 $0x4;
	[dreg:$0xf] =	wrdreg s16  }
0xc: {  	s29 =	simm.s32 $0x5;
	s30 =	simm.s32 $0x6;
	[dreg:$0x10] =	wrdreg s18  }
0xd: {  	s31 =	simm.s32 $0x7;
	s5 =	sand.u32 $0x1, s1;
	[dreg:$0x11] =	wrdreg s20  }
0xe: {  	s6 =	sshll.u32 s25, $0x7;
	s7 =	sshll.u32 s25, $0xE;
	[dreg:$0x12] =	wrdreg s21  }
0xf: {  	s25 =	simm.s32 $0x9A00;
	s1 =	sshll.u32 s5, $0x6;
	[dreg:$0x14] =	wrdreg s22  }
0x10: {  	s8 =	sshll.u32 s5, $0xD;
	s5 =	ssub.s32 $0x2, s5;
	[dreg:$0x15] =	wrdreg s23  }
0x11: {  	s9 =	simm.s32 $0x7200;
	s10 =	simm.s32 $0x200;
	[dreg:$0x16] =	wrdreg s24  }
0x12: {  	s11 =	simm.s32 $0x4200;
	[dreg:$0x17] =	wrdreg s25;
	s12 =	simm.s32 $0x8200  }
0x13: {  	s14 =	simm.s32 $0xB200;
	s15 =	simm.s32 $0xBA00;
	s16 =	simm.s32 $0xC200  }
0x14: {  	s18 =	simm.s32 $0xD200;
	s20 =	simm.s32 $0xE200;
	s21 =	simm.s32 $0xEA00  }
0x15: {  	s22 =	simm.s32 $0xF200;
	s23 =	simm.s32 $0xFA00;
	s24 =	simm.s32 $0x1  }
0x16: {  	s25 =	simm.s32 $0x2;
	s4 =	sadd.s32 s1, s0;
	s26 =	sor.u32 s8, s7  }
0x17: {  	s8 =	simm.s32 $0xA00;
	s17 =	sshrl.u32 s5, $0x1;
	[dreg:$0x13] =	wrdreg s9  }
0x18: {  	s9 =	simm.s32 $0x9;
	s4 =	sadd.s32 s6, s4;
	s3 =	sadd.s32 s3, s26  }
0x19: {  	[dreg:$0x7] =	wrdreg s8;
	s19 =	ssub.s32 s5, s17;
	s26 =	simm.s32 $0xA200  }
0x1a: {  	s5 =	sadd.s32 $0x1F00, s0;
	s4 =	sadd.s32 $0x1600, s4;
	[dreg:$0x18] =	wrdreg s26  }
0x1b: {  	s17 =	simm.s32 $0xCA00;
	s1 =	sadd.s32 $0x800, s3;
	[dreg:$0x3] =	wrdreg s4  }
0x1c: {  	s6 =	sadd.s32 $0x1000, s3;
	s7 =	sadd.s32 $0x1800, s3;
	[dreg:$0x4] =	wrdreg s1  }
0x1d: {  	v2 =	vlaneseq.u32;
	s8 =	smax.u32 s19, $0x1;
	s19 =	simm.s32 $0xDA00;
	[dreg:$0x5] =	wrdreg s6  }
0x1e: {  	vm0 =	vmmov $0xffff;
	v1 =	vshrl.u32 v2, $0x3;
	s26 =	simm.s32 $0x3;
	[dreg:$0x6] =	wrdreg s7;
	s4 =	sadd.s32 $0x1E00, s0  }
0x1f: {  	v0 =	vand.u32 $0x7, v2;
	v2 =	vor.u32 $0x8, v2;
	v1 =	vmul.u32 $0x8, v1;
	s6 =	sadd.s32 $0x2000, s0;
	s7 =	sadd.s32 $0x2100, s0;
	s0 =	simm.s32 $0x8  }
.LBB2_1:
0x20: {  	s1 =	rddreg [dreg:$0x3]  }
0x21: {  	[tilespmem:s2], [sflag:$0x9] =	stream.linear.gather [hbm4b:s1+s2], $0x200, $0x38;
	[tilespmem:$0x10200] =	vst v63  }
0x22: {  	_ =	swait.ge [sflag:s9], $0x200  }
0x23: {  	[sflag:s9] =	ssyncset.done $0x0  }
0x24: {  	[sflag:s9] =	ssyncadd.s32 $0xFFFFFE00  }
0x25: {  	v3 =	vld [tilespmem:$0x0];
	_ =	sdelay $0x4  }
0x26: {  	v4 =	vshll.u32 v3, $0x3  }
0x27: {  	v3 =	vand.u32 $0x7, v3;
	v4 =	vand.u32 $0xFFFFFFC0, v4  }
0x28: {  	v3 =	vor.u32 v3, v4  }
0x29: {  	v4 =	vperm.xlane v3, v0;
	_ =	sdelay $0x1  }
0x2a: {  	v4 =	vadd.s32 v1, v4;
	_ =	sdelay $0x4  }
0x2b: {  	[tilespmem:s10], [sflag:$0x1] =	stream.indirect_vreg.gather [hbm4b:s4+s2], $0x80, v4, vm0, $0xb8;
	[tilespmem:$0x10200] =	vst v63  }
0x2c: {  	s1 =	rddreg [dreg:$0x7];
	v3 =	vperm.xlane v3, v2  }
0x2d: {  	[tilespmem:s1], [sflag:$0x1] =	stream.indirect_vreg.gather [hbm4b:s5+s2], $0x80, v4, vm0, $0xb8;
	[tilespmem:$0x10200] =	vst v63  }
0x2e: {  	s13 =	rddreg [dreg:$0x8];
	v3 =	vadd.s32 v1, v3  }
0x2f: {  	[tilespmem:s13], [sflag:$0x1] =	stream.indirect_vreg.gather [hbm4b:s6+s2], $0x80, v4, vm0, $0xb8;
	[tilespmem:$0x10200] =	vst v63  }
0x30: {  	s1 =	rddreg [dreg:$0x9]  }
0x31: {  	[tilespmem:s1], [sflag:$0x1] =	stream.indirect_vreg.gather [hbm4b:s7+s2], $0x80, v4, vm0, $0xb8;
	[tilespmem:$0x10200] =	vst v63  }
0x32: {  	s13 =	rddreg [dreg:$0xa]  }
0x33: {  	[tilespmem:s13], [sflag:$0x1] =	stream.indirect_vreg.gather [hbm4b:s4+s2], $0x80, v3, vm0, $0xb8;
	[tilespmem:$0x10200] =	vst v63  }
0x34: {  	s1 =	rddreg [dreg:$0xb]  }
0x35: {  	[tilespmem:s1], [sflag:$0x1] =	stream.indirect_vreg.gather [hbm4b:s5+s2], $0x80, v3, vm0, $0xb8;
	[tilespmem:$0x10200] =	vst v63  }
0x36: {  	s13 =	rddreg [dreg:$0xc]  }
0x37: {  	[tilespmem:s13], [sflag:$0x1] =	stream.indirect_vreg.gather [hbm4b:s6+s2], $0x80, v3, vm0, $0xb8;
	[tilespmem:$0x10200] =	vst v63  }
0x38: {  	s1 =	rddreg [dreg:$0xd]  }
0x39: {  	[tilespmem:s1], [sflag:$0x1] =	stream.indirect_vreg.gather [hbm4b:s7+s2], $0x80, v3, vm0, $0xb8;
	[tilespmem:$0x10200] =	vst v63  }
0x3a: {  	v3 =	vld [tilespmem:$0x80];
	_ =	sdelay $0x4  }
0x3b: {  	v61 =	vshll.u32 v3, $0x3  }
0x3c: {  	v3 =	vand.u32 $0x7, v3;
	v4 =	vand.u32 $0xFFFFFFC0, v61  }
0x3d: {  	v3 =	vor.u32 v3, v4  }
0x3e: {  	v4 =	vperm.xlane v3, v0;
	_ =	sdelay $0x1  }
0x3f: {  	v4 =	vadd.s32 v1, v4;
	_ =	sdelay $0x4  }
0x40: {  	[tilespmem:s11], [sflag:$0x2] =	stream.indirect_vreg.gather [hbm4b:s4+s2], $0x80, v4, vm0, $0xb8;
	[tilespmem:$0x10200] =	vst v63  }
0x41: {  	s1 =	rddreg [dreg:$0xe];
	v3 =	vperm.xlane v3, v2  }
0x42: {  	[tilespmem:s1], [sflag:$0x2] =	stream.indirect_vreg.gather [hbm4b:s5+s2], $0x80, v4, vm0, $0xb8;
	[tilespmem:$0x10200] =	vst v63  }
0x43: {  	s13 =	rddreg [dreg:$0xf];
	v3 =	vadd.s32 v1, v3  }
0x44: {  	[tilespmem:s13], [sflag:$0x2] =	stream.indirect_vreg.gather [hbm4b:s6+s2], $0x80, v4, vm0, $0xb8;
	[tilespmem:$0x10200] =	vst v63  }
0x45: {  	s1 =	rddreg [dreg:$0x10]  }
0x46: {  	[tilespmem:s1], [sflag:$0x2] =	stream.indirect_vreg.gather [hbm4b:s7+s2], $0x80, v4, vm0, $0xb8;
	[tilespmem:$0x10200] =	vst v63  }
0x47: {  	s13 =	rddreg [dreg:$0x11]  }
0x48: {  	[tilespmem:s13], [sflag:$0x2] =	stream.indirect_vreg.gather [hbm4b:s4+s2], $0x80, v3, vm0, $0xb8;
	[tilespmem:$0x10200] =	vst v63  }
0x49: {  	s1 =	rddreg [dreg:$0x12]  }
0x4a: {  	[tilespmem:s1], [sflag:$0x2] =	stream.indirect_vreg.gather [hbm4b:s5+s2], $0x80, v3, vm0, $0xb8;
	[tilespmem:$0x10200] =	vst v63  }
0x4b: {  	s13 =	rddreg [dreg:$0x13]  }
0x4c: {  	[tilespmem:s13], [sflag:$0x2] =	stream.indirect_vreg.gather [hbm4b:s6+s2], $0x80, v3, vm0, $0xb8;
	[tilespmem:$0x10200] =	vst v63  }
0x4d: {  	s1 =	rddreg [dreg:$0x14]  }
0x4e: {  	[tilespmem:s1], [sflag:$0x2] =	stream.indirect_vreg.gather [hbm4b:s7+s2], $0x80, v3, vm0, $0xb8;
	[tilespmem:$0x10200] =	vst v63  }
0x4f: {  	v3 =	vld [tilespmem:$0x100];
	_ =	sdelay $0x4  }
0x50: {  	v62 =	vshll.u32 v3, $0x3  }
0x51: {  	v3 =	vand.u32 $0x7, v3;
	v4 =	vand.u32 $0xFFFFFFC0, v62  }
0x52: {  	v3 =	vor.u32 v3, v4  }
0x53: {  	v4 =	vperm.xlane v3, v0;
	_ =	sdelay $0x1  }
0x54: {  	v4 =	vadd.s32 v1, v4;
	_ =	sdelay $0x4  }
0x55: {  	[tilespmem:s12], [sflag:$0x3] =	stream.indirect_vreg.gather [hbm4b:s4+s2], $0x80, v4, vm0, $0xb8;
	[tilespmem:$0x10200] =	vst v63  }
0x56: {  	s1 =	rddreg [dreg:$0x15];
	v3 =	vperm.xlane v3, v2  }
0x57: {  	[tilespmem:s1], [sflag:$0x3] =	stream.indirect_vreg.gather [hbm4b:s5+s2], $0x80, v4, vm0, $0xb8;
	[tilespmem:$0x10200] =	vst v63  }
0x58: {  	s13 =	rddreg [dreg:$0x16];
	v3 =	vadd.s32 v1, v3  }
0x59: {  	[tilespmem:s13], [sflag:$0x3] =	stream.indirect_vreg.gather [hbm4b:s6+s2], $0x80, v4, vm0, $0xb8;
	[tilespmem:$0x10200] =	vst v63  }
0x5a: {  	s1 =	rddreg [dreg:$0x17]  }
0x5b: {  	[tilespmem:s1], [sflag:$0x3] =	stream.indirect_vreg.gather [hbm4b:s7+s2], $0x80, v4, vm0, $0xb8;
	[tilespmem:$0x10200] =	vst v63  }
0x5c: {  	s13 =	rddreg [dreg:$0x18]  }
0x5d: {  	[tilespmem:s13], [sflag:$0x3] =	stream.indirect_vreg.gather [hbm4b:s4+s2], $0x80, v3, vm0, $0xb8;
	[tilespmem:$0x10200] =	vst v63  }
0x5e: {  	s13 =	simm.s32 $0xAA00  }
0x5f: {  	[tilespmem:s13], [sflag:$0x3] =	stream.indirect_vreg.gather [hbm4b:s5+s2], $0x80, v3, vm0, $0xb8;
	[tilespmem:$0x10200] =	vst v63  }
0x60: {  	_ = 	snop  }
0x61: {  	[tilespmem:s14], [sflag:$0x3] =	stream.indirect_vreg.gather [hbm4b:s6+s2], $0x80, v3, vm0, $0xb8;
	[tilespmem:$0x10200] =	vst v63  }
0x62: {  	_ = 	snop  }
0x63: {  	[tilespmem:s15], [sflag:$0x3] =	stream.indirect_vreg.gather [hbm4b:s7+s2], $0x80, v3, vm0, $0xb8;
	[tilespmem:$0x10200] =	vst v63  }
0x64: {  	v3 =	vld [tilespmem:$0x180];
	_ =	sdelay $0x4  }
0x65: {  	v63 =	vshll.u32 v3, $0x3  }
0x66: {  	v3 =	vand.u32 $0x7, v3;
	v4 =	vand.u32 $0xFFFFFFC0, v63  }
0x67: {  	v3 =	vor.u32 v3, v4  }
0x68: {  	v4 =	vperm.xlane v3, v0;
	_ =	sdelay $0x1  }
0x69: {  	v4 =	vadd.s32 v1, v4;
	_ =	sdelay $0x4  }
0x6a: {  	[tilespmem:s16], [sflag:$0x4] =	stream.indirect_vreg.gather [hbm4b:s4+s2], $0x80, v4, vm0, $0xb8;
	[tilespmem:$0x10200] =	vst v63  }
0x6b: {  	v3 =	vperm.xlane v3, v2  }
0x6c: {  	[tilespmem:s17], [sflag:$0x4] =	stream.indirect_vreg.gather [hbm4b:s5+s2], $0x80, v4, vm0, $0xb8;
	[tilespmem:$0x10200] =	vst v63  }
0x6d: {  	v3 =	vadd.s32 v1, v3  }
0x6e: {  	[tilespmem:s18], [sflag:$0x4] =	stream.indirect_vreg.gather [hbm4b:s6+s2], $0x80, v4, vm0, $0xb8;
	[tilespmem:$0x10200] =	vst v63  }
0x6f: {  	_ = 	snop  }
0x70: {  	[tilespmem:s19], [sflag:$0x4] =	stream.indirect_vreg.gather [hbm4b:s7+s2], $0x80, v4, vm0, $0xb8;
	[tilespmem:$0x10200] =	vst v63  }
0x71: {  	_ = 	snop  }
0x72: {  	[tilespmem:s20], [sflag:$0x4] =	stream.indirect_vreg.gather [hbm4b:s4+s2], $0x80, v3, vm0, $0xb8;
	[tilespmem:$0x10200] =	vst v63  }
0x73: {  	_ = 	snop  }
0x74: {  	[tilespmem:s21], [sflag:$0x4] =	stream.indirect_vreg.gather [hbm4b:s5+s2], $0x80, v3, vm0, $0xb8;
	[tilespmem:$0x10200] =	vst v63  }
0x75: {  	_ = 	snop  }
0x76: {  	[tilespmem:s22], [sflag:$0x4] =	stream.indirect_vreg.gather [hbm4b:s6+s2], $0x80, v3, vm0, $0xb8;
	[tilespmem:$0x10200] =	vst v63  }
0x77: {  	_ = 	snop  }
0x78: {  	[tilespmem:s23], [sflag:$0x4] =	stream.indirect_vreg.gather [hbm4b:s7+s2], $0x80, v3, vm0, $0xb8;
	[tilespmem:$0x10200] =	vst v63  }
0x79: {  	_ =	swait.ge [sflag:s24], $0x4000  }
0x7a: {  	[sflag:s24] =	ssyncset.done $0x0  }
0x7b: {  	[sflag:s24] =	ssyncadd.s32 $0xFFFFC000  }
0x7c: {  	[hbm4b:s3+s2] =	stream.linear.scatter [tilespmem:s10], [sflag:$0x5], $0x4000, $0x38;
	[tilespmem:$0x10200] =	vst v63  }
0x7d: {  	_ =	swait.ge [sflag:s25], $0x4000  }
0x7e: {  	[sflag:s25] =	ssyncset.done $0x0  }
0x7f: {  	s13 =	rddreg [dreg:$0x4];
	[sflag:s25] =	ssyncadd.s32 $0xFFFFC000  }
0x80: {  	[hbm4b:s13+s2] =	stream.linear.scatter [tilespmem:s11], [sflag:$0x6], $0x4000, $0x38;
	[tilespmem:$0x10200] =	vst v63  }
0x81: {  	_ =	swait.ge [sflag:s26], $0x4000  }
0x82: {  	[sflag:s26] =	ssyncset.done $0x0  }
0x83: {  	s13 =	rddreg [dreg:$0x5];
	[sflag:s26] =	ssyncadd.s32 $0xFFFFC000  }
0x84: {  	[hbm4b:s13+s2] =	stream.linear.scatter [tilespmem:s12], [sflag:$0x7], $0x4000, $0x38;
	[tilespmem:$0x10200] =	vst v63  }
0x85: {  	_ =	swait.ge [sflag:s28], $0x4000  }
0x86: {  	[sflag:s28] =	ssyncset.done $0x0  }
0x87: {  	s13 =	rddreg [dreg:$0x6];
	[sflag:s28] =	ssyncadd.s32 $0xFFFFC000  }
0x88: {  	[hbm4b:s13+s2] =	stream.linear.scatter [tilespmem:s16], [sflag:$0x8], $0x4000, $0x38;
	[tilespmem:$0x10200] =	vst v63  }
0x89: {  	_ =	swait.ge [sflag:s29], $0x4000  }
0x8a: {  	[sflag:s29] =	ssyncset.done $0x0  }
0x8b: {  	[sflag:s29] =	ssyncadd.s32 $0xFFFFC000  }
0x8c: {  	_ =	swait.ge [sflag:s30], $0x4000  }
0x8d: {  	[sflag:s30] =	ssyncset.done $0x0  }
0x8e: {  	[sflag:s30] =	ssyncadd.s32 $0xFFFFC000  }
0x8f: {  	p0 =	sne.s32 s8, $0x1;
	_ =	swait.ge [sflag:s31], $0x4000  }
.Ltmp0:
0x90: {  	[sflag:s31] =	ssyncset.done $0x0;
	(pc) =	sbr.rel @p0 .LBB2_1-.Ltmp0, $4  }
0x91: {  	[sflag:s31] =	ssyncadd.s32 $0xFFFFC000  }
0x92: {  	_ =	swait.ge [sflag:s0], $0x4000  }
0x93: {  	[sflag:s0] =	ssyncset.done $0x0  }
0x94: {  	s8 =	sadd.s32 $0xFFFFFFFF, s8;
	[sflag:s0] =	ssyncadd.s32 $0xFFFFC000  }
0x95: {  	_ =	sfence.sel $0x180000  }
0x96: {  	[bflag:$0x0] =	sbarrier.arrive $0xFFFF  }
0x97: {  	_ =	strace $0x9000004A  }
0x98: {  	s0 =	stileid.u32;
	[bflag:$0x2] =	sbarrier.arrive $0xFFFF  }
0x99: {  	p0 =	sne.s32 s0, $0x0;
	s0 =	rddreg [dreg:$0x2]  }
0x9a: {  	s0 =	sadd.s32 @!p0 $0x100000, s0  }
0x9b: {  	[sflag:s0] =	ssyncadd.tile.s32 @!p0 $0x1;
	_ =	shalt  }
.Lfunc_end2:
_tile_overlayer_lowered:
.L_overlay_start_2:
0x9c: {  	(tag) =	ssettag $0x2  }
0x9d: {  	s0 =	rddreg [dreg:$0x0];
	s2 =	stileid.u32  }
0x9e: {  	s1 =	rddreg [dreg:$0x1];
	p0 =	sne.s32 s2, $0x0  }
0x9f: {  	s3 =	rddreg [dreg:$0x2];
	[bflag:$0x3] =	sbarrier.arrive $0xFFFF;
	s2 =	simm.s32 @!p0 $0x1C09  }
0xa0: {  	[timem:s3], [sflag:s2] =	dma.local @!p0 [hbm:s0], s1  }
0xa1: {  	s0 =	simm.s32 @!p0 $0x9  }
0xa2: {  	_ =	swait.ge @!p0 [sflag:s0], s1  }
0xa3: {  	s1 =	ssub.s32 @!p0 $0x0, s1;
	[sflag:s0] =	ssyncset.done @!p0 $0x0  }
0xa4: {  	[sflag:s0] =	ssyncadd.s32 @!p0 s1  }
0xa5: {  	[bflag:$0x3] =	sbarrier.arrive $0xFFFF  }
0xa6: {  	_ =	shalt  }

</sc_bundles>
